<compile_context>
chip_gen: v7x
topology: tpu7x:2x2x1
jax: 0.10.2.dev20260603
libtpu: 0.0.44.dev20260713+nightly
codegen_flags: <defaults>
</compile_context>

<pallas_src>
import functools

import jax
import jax.numpy as jnp
from jax import lax
from jax.experimental import pallas as pl
from jax.experimental.pallas import tpu as pltpu
from jax.experimental.pallas import tpu_sc as plsc

N = 2048
V = 32000
PAD = 0
EPS = 0.1
CONF = 1.0 - EPS
SM = EPS / (V - 2)

NC = 2
NS = 16
L = 16
NW = NC * NS

K = 1216
M = N - K
ROWS_PER_W = K // NW
RPW_PAD = 40
KP = NW * RPW_PAD
TGT_WIN = 48
U = 8

BR = 64
BC = 6400


def _sc_body(x_hbm, tgt_hbm, sexp_hbm, sumx_hbm, xt_hbm, x0_hbm,
             buf0, buf1, tgt_v, tmp_v, sexp_v, sumx_v, xt_v, x0_v,
             sem0, sem1):
    wid = lax.axis_index("s") * NC + lax.axis_index("c")
    base = wid * ROWS_PER_W

    tstart = (base // 8) * 8
    toff = base - tstart
    pltpu.sync_copy(tgt_hbm.at[pl.ds(tstart, TGT_WIN)], tgt_v)

    pltpu.async_copy(x_hbm.at[base], buf0, sem0)
    pltpu.async_copy(x_hbm.at[base + 1], buf1, sem1)

    zf = jnp.zeros((L,), jnp.float32)
    lanes = lax.iota(jnp.int32, L)

    def do_row(r, buf, sem):
        pltpu.make_async_copy(x_hbm.at[base + r], buf, sem).wait()

        rr = r + toff
        tvec = tgt_v[pl.ds((rr // L) * L, L)]
        tb = lax.gather(
            tvec,
            jnp.full((L, 1), rr % L, jnp.int32),
            lax.GatherDimensionNumbers(
                offset_dims=(), collapsed_slice_dims=(0,),
                start_index_map=(0,)),
            (1,),
            mode=lax.GatherScatterMode.PROMISE_IN_BOUNDS)
        tmp_v[...] = tb
        t_scalar = tmp_v[...][0]
        q = t_scalar // L

        @plsc.parallel_loop(0, V, step=U * L, carry=(zf,) * (2 * U))
        def accs(off, car):
            out = []
            for u in range(U):
                c = buf[pl.ds(off + u * L, L)]
                out.append(car[2 * u] + jnp.exp(c))
                out.append(car[2 * u + 1] + c)
            return tuple(out)

        s_acc = zf
        t_acc = zf
        for u in range(U):
            s_acc = s_acc + accs[2 * u]
            t_acc = t_acc + accs[2 * u + 1]

        ct = buf[pl.ds(q * L, L)]
        xt = jnp.where(lanes == t_scalar - q * L, ct, 0.0)

        x0 = buf[pl.ds(0, L)]

        @pl.when(r + 2 < ROWS_PER_W)
        def _():
            pltpu.async_copy(x_hbm.at[base + r + 2], buf, sem)

        sexp_v[r] = s_acc
        sumx_v[r] = t_acc
        xt_v[r] = xt
        x0_v[r] = x0

    def outer(i2, c):
        do_row(i2 * 2, buf0, sem0)
        do_row(i2 * 2 + 1, buf1, sem1)
        return c

    lax.fori_loop(0, ROWS_PER_W // 2, outer, 0)

    for rp in range(ROWS_PER_W, RPW_PAD):
        sexp_v[rp] = jnp.ones((L,), jnp.float32)
        sumx_v[rp] = zf
        xt_v[rp] = zf
        x0_v[rp] = zf

    sl = pl.ds(wid * RPW_PAD, RPW_PAD)
    pltpu.sync_copy(sexp_v, sexp_hbm.at[sl])
    pltpu.sync_copy(sumx_v, sumx_hbm.at[sl])
    pltpu.sync_copy(xt_v, xt_hbm.at[sl])
    pltpu.sync_copy(x0_v, x0_hbm.at[sl])


_sc_reduce = functools.partial(
    pl.kernel,
    out_type=(
        jax.ShapeDtypeStruct((KP, L), jnp.float32),
        jax.ShapeDtypeStruct((KP, L), jnp.float32),
        jax.ShapeDtypeStruct((KP, L), jnp.float32),
        jax.ShapeDtypeStruct((KP, L), jnp.float32),
    ),
    mesh=plsc.VectorSubcoreMesh(core_axis_name="c", subcore_axis_name="s"),
    scratch_types=[
        pltpu.VMEM((V,), jnp.float32),
        pltpu.VMEM((V,), jnp.float32),
        pltpu.VMEM((TGT_WIN,), jnp.int32),
        pltpu.VMEM((L,), jnp.int32),
        pltpu.VMEM((RPW_PAD, L), jnp.float32),
        pltpu.VMEM((RPW_PAD, L), jnp.float32),
        pltpu.VMEM((RPW_PAD, L), jnp.float32),
        pltpu.VMEM((RPW_PAD, L), jnp.float32),
        pltpu.SemaphoreType.DMA,
        pltpu.SemaphoreType.DMA,
    ],
)(_sc_body)


def _tc_stream(x_ref, tgt_ref, sexp_ref, sumx_ref, xt_ref, x0_ref):
    j = pl.program_id(1)

    @pl.when(j == 0)
    def _():
        sexp_ref[...] = jnp.zeros_like(sexp_ref)
        sumx_ref[...] = jnp.zeros_like(sumx_ref)
        xt_ref[...] = jnp.zeros_like(xt_ref)
        x0_ref[...] = x_ref[...][:, 0:1]

    blk = x_ref[...]
    sexp_ref[...] += jnp.sum(jnp.exp(blk), axis=1, keepdims=True)
    sumx_ref[...] += jnp.sum(blk, axis=1, keepdims=True)
    cols = j * BC + lax.broadcasted_iota(jnp.int32, (BR, BC), 1)
    hit = cols == tgt_ref[...]
    xt_ref[...] += jnp.sum(jnp.where(hit, blk, 0.0), axis=1, keepdims=True)


_tc_stream_call = pl.pallas_call(
    _tc_stream,
    grid=(M // BR, V // BC),
    in_specs=[
        pl.BlockSpec((BR, BC), lambda i, j: (K // BR + i, j)),
        pl.BlockSpec((BR, 1), lambda i, j: (K // BR + i, 0)),
    ],
    out_specs=[
        pl.BlockSpec((BR, 1), lambda i, j: (i, 0)),
        pl.BlockSpec((BR, 1), lambda i, j: (i, 0)),
        pl.BlockSpec((BR, 1), lambda i, j: (i, 0)),
        pl.BlockSpec((BR, 1), lambda i, j: (i, 0)),
    ],
    out_shape=(
        jax.ShapeDtypeStruct((M, 1), jnp.float32),
        jax.ShapeDtypeStruct((M, 1), jnp.float32),
        jax.ShapeDtypeStruct((M, 1), jnp.float32),
        jax.ShapeDtypeStruct((M, 1), jnp.float32),
    ),
)


def _loss_rows(s, sumx, xt, x0, tgt):
    lse = jnp.log(s)
    li = (CONF * (lse - xt)
          + SM * ((V * lse - sumx) - (lse - x0) - (lse - xt)))
    return jnp.where(tgt == PAD, 0.0, li)


def _tc_finalize(sexp_a, sumx_a, xt_a, x0_a, tgtp_ref,
                 sexp_b, sumx_b, xt_b, x0_b, tgt_ref, out_ref):
    li_a = _loss_rows(
        jnp.sum(sexp_a[...], axis=1, keepdims=True),
        jnp.sum(sumx_a[...], axis=1, keepdims=True),
        jnp.sum(xt_a[...], axis=1, keepdims=True),
        x0_a[...][:, 0:1],
        tgtp_ref[...])
    li_b = _loss_rows(sexp_b[...], sumx_b[...], xt_b[...], x0_b[...],
                      tgt_ref[...][K:])
    out_ref[...] = (jnp.sum(li_a, keepdims=True)
                    + jnp.sum(li_b, keepdims=True)) / N


def kernel(x, target):
    target = target.astype(jnp.int32)
    tgt2d = target.reshape(N, 1)
    tgtp = jnp.pad(target[:K].reshape(NW, ROWS_PER_W),
                   ((0, 0), (0, RPW_PAD - ROWS_PER_W))).reshape(KP, 1)
    sexp_a, sumx_a, xt_a, x0_a = _sc_reduce(x, target)
    sexp_b, sumx_b, xt_b, x0_b = _tc_stream_call(x, tgt2d)
    out = pl.pallas_call(
        _tc_finalize,
        out_shape=jax.ShapeDtypeStruct((1, 1), jnp.float32),
    )(sexp_a, sumx_a, xt_a, x0_a, tgtp,
      sexp_b, sumx_b, xt_b, x0_b, tgt2d)
    return out.reshape(())

# --- scband reference (transcript-rebuilt; emitter-appended) ---
"""Pipeline reference for scband-label-smoothing-13486197309750 (READ-ONLY COPY).

The authoritative reference and input builder live on the scoring server;
editing this copy changes nothing except your own understanding.
"""

import jax, jax.numpy as jnp
import numpy as np

SIZE = 32000
PAD = 0
EPS = 0.1
CONF = 1.0 - EPS


def setup_inputs(seed: int = 0) -> dict:
    key = jax.random.key(seed)
    k1, k2 = jax.random.split(key)
    x = jax.random.normal(k1, (2048, SIZE), dtype=jnp.float32)
    target = jax.random.randint(k2, (2048,), 0, SIZE)
    return {"x": x, "target": target}


def reference(x, target):
    N, V = x.shape
    # true_dist filled with eps/(size-2)
    true_dist = jnp.full((N, V), EPS / (V - 2), dtype=x.dtype)
    # scatter confidence at the target index of each row
    true_dist = true_dist.at[jnp.arange(N), target].set(CONF)
    # zero out the padding column
    true_dist = true_dist.at[:, PAD].set(0.0)
    # zero out rows whose target is the padding index (index_fill_)
    true_dist = jnp.where((target == PAD)[:, None], 0.0, true_dist)
    true_dist = jax.lax.stop_gradient(true_dist)
    # nn.CrossEntropyLoss with soft (probability) targets, reduction='mean'
    logp = jax.nn.log_softmax(x, axis=1)
    loss_per_row = -jnp.sum(true_dist * logp, axis=1)
    return jnp.mean(loss_per_row)

if __name__ == "__main__":
    import jax
    _d = setup_inputs()
    print(jax.jit(kernel)(*tuple(_d.values())))

</pallas_src>

<mosaic_0001>
#map = affine_map<(d0, d1) -> (0, 0)>
#map1 = affine_map<(d0, d1) -> (0)>
module attributes {stable_mosaic.version = 14 : i64} {
  func.func @_sc_body(%arg0: i32, %arg1: i32, %arg2: memref<2048x32000xf32, #tpu.memory_space<hbm>>, %arg3: memref<2048xi32, #tpu.memory_space<hbm>>, %arg4: memref<1280x16xf32, #tpu.memory_space<hbm>>, %arg5: memref<1280x16xf32, #tpu.memory_space<hbm>>, %arg6: memref<1280x16xf32, #tpu.memory_space<hbm>>, %arg7: memref<1280x16xf32, #tpu.memory_space<hbm>>, %arg8: memref<32000xf32, #tpu.memory_space<vmem>>, %arg9: memref<32000xf32, #tpu.memory_space<vmem>>, %arg10: memref<48xi32, #tpu.memory_space<vmem>>, %arg11: memref<16xi32, #tpu.memory_space<vmem>>, %arg12: memref<40x16xf32, #tpu.memory_space<vmem>>, %arg13: memref<40x16xf32, #tpu.memory_space<vmem>>, %arg14: memref<40x16xf32, #tpu.memory_space<vmem>>, %arg15: memref<40x16xf32, #tpu.memory_space<vmem>>, %arg16: memref<!tpu.dma_semaphore, #tpu.memory_space<semaphore_mem>>, %arg17: memref<!tpu.dma_semaphore, #tpu.memory_space<semaphore_mem>>) attributes {dimension_semantics = [#tpu.dimension_semantics<core_parallel>, #tpu.dimension_semantics<subcore_parallel>], iteration_bounds = array<i64: 2, 16>, scalar_prefetch = 0 : i64, scratch_operands = 10 : i64, tpu.core_type = #tpu.core_type<sc_vector_subcore>, window_params = [{transform_indices = #map}, {transform_indices = #map1}, {transform_indices = #map}, {transform_indices = #map}, {transform_indices = #map}, {transform_indices = #map}]} {
    %mul3A = arith.constant 2 : i32
    %mul3A_0 = arith.muli %arg1, %mul3A : i32
    %add3A = arith.addi %mul3A_0, %arg0 : i32
    %mul3A_1 = arith.constant 38 : i32
    %mul3A_2 = arith.muli %add3A, %mul3A_1 : i32
    %jit3A = arith.constant 8 : i32
    %div3A = arith.divsi %mul3A_2, %jit3A : i32
    %sign3A = arith.constant 0 : i32
    %sign3A_3 = arith.cmpi sgt, %mul3A_2, %sign3A : i32
    %sign3A_4 = arith.extui %sign3A_3 : i1 to i32
    %sign3A_5 = arith.constant 0 : i32
    %sign3A_6 = arith.cmpi slt, %mul3A_2, %sign3A_5 : i32
    %sign3A_7 = arith.extui %sign3A_6 : i1 to i32
    %sign3A_8 = arith.subi %sign3A_4, %sign3A_7 : i32
    %sign3A_9 = arith.constant 0 : i32
    %sign3A_10 = arith.cmpi sgt, %jit3A, %sign3A_9 : i32
    %sign3A_11 = arith.extui %sign3A_10 : i1 to i32
    %sign3A_12 = arith.constant 0 : i32
    %sign3A_13 = arith.cmpi slt, %jit3A, %sign3A_12 : i32
    %sign3A_14 = arith.extui %sign3A_13 : i1 to i32
    %sign3A_15 = arith.subi %sign3A_11, %sign3A_14 : i32
    %ne3A = arith.cmpi ne, %sign3A_8, %sign3A_15 : i32
    %rem3A = arith.remsi %mul3A_2, %jit3A : i32
    %ne3A_16 = arith.constant 0 : i32
    %ne3A_17 = arith.cmpi ne, %rem3A, %ne3A_16 : i32
    %and3A = arith.andi %ne3A, %ne3A_17 : i1
    %sub3A = arith.constant 1 : i32
    %sub3A_18 = arith.subi %div3A, %sub3A : i32
    %select_n3A = arith.select %and3A, %sub3A_18, %div3A : i32
    %mul3A_19 = arith.constant 8 : i32
    %mul3A_20 = arith.muli %select_n3A, %mul3A_19 : i32
    %sub3A_21 = arith.subi %mul3A_2, %mul3A_20 : i32
    "tpu.region"() ({
      %run_scoped3A = tpu.sem_alloc : memref<!tpu.dma_semaphore, #tpu.memory_space<semaphore_mem>>
      %dma_start3A_94 = tpu.memref_slice %arg3[%mul3A_20] : memref<2048xi32, #tpu.memory_space<hbm>> -> memref<48xi32, #tpu.memory_space<hbm>>
      %dma_start3A_95 = tpu.memref_slice %arg3[%mul3A_20] : memref<2048xi32, #tpu.memory_space<hbm>> -> memref<48xi32, #tpu.memory_space<hbm>>
      tpu.enqueue_dma source(%dma_start3A_95 : memref<48xi32, #tpu.memory_space<hbm>>) target(%arg10 : memref<48xi32, #tpu.memory_space<vmem>>) target_semaphore(%run_scoped3A : memref<!tpu.dma_semaphore, #tpu.memory_space<semaphore_mem>>)
      %dma_wait3A = tpu.memref_slice %arg3[%mul3A_20] : memref<2048xi32, #tpu.memory_space<hbm>> -> memref<48xi32, #tpu.memory_space<hbm>>
      %dma_wait3A_96 = tpu.memref_slice %arg3[%mul3A_20] : memref<2048xi32, #tpu.memory_space<hbm>> -> memref<48xi32, #tpu.memory_space<hbm>>
      tpu.wait_dma2 semaphore(%run_scoped3A : memref<!tpu.dma_semaphore, #tpu.memory_space<semaphore_mem>>) src(%dma_wait3A_96 : memref<48xi32, #tpu.memory_space<hbm>>) dst(%arg10 : memref<48xi32, #tpu.memory_space<vmem>>)
      tpu.yield
    }) : () -> ()
    %dma_start3A = arith.constant 0 : i32
    %dma_start3A_22 = tpu.memref_slice %arg2[%mul3A_2, %dma_start3A] : memref<2048x32000xf32, #tpu.memory_space<hbm>> -> memref<1x32000xf32, #tpu.memory_space<hbm>>
    %dma_start3A_23 = tpu.memref_squeeze %dma_start3A_22 : memref<1x32000xf32, #tpu.memory_space<hbm>> -> memref<32000xf32, #tpu.memory_space<hbm>>
    %dma_start3A_24 = arith.constant 0 : i32
    %dma_start3A_25 = tpu.memref_slice %arg2[%mul3A_2, %dma_start3A_24] : memref<2048x32000xf32, #tpu.memory_space<hbm>> -> memref<1x32000xf32, #tpu.memory_space<hbm>>
    %dma_start3A_26 = tpu.memref_squeeze %dma_start3A_25 : memref<1x32000xf32, #tpu.memory_space<hbm>> -> memref<32000xf32, #tpu.memory_space<hbm>>
    tpu.enqueue_dma source(%dma_start3A_26 : memref<32000xf32, #tpu.memory_space<hbm>>) target(%arg8 : memref<32000xf32, #tpu.memory_space<vmem>>) target_semaphore(%arg16 : memref<!tpu.dma_semaphore, #tpu.memory_space<semaphore_mem>>)
    %add3A_27 = arith.constant 1 : i32
    %add3A_28 = arith.addi %mul3A_2, %add3A_27 : i32
    %dma_start3A_29 = arith.constant 0 : i32
    %dma_start3A_30 = tpu.memref_slice %arg2[%add3A_28, %dma_start3A_29] : memref<2048x32000xf32, #tpu.memory_space<hbm>> -> memref<1x32000xf32, #tpu.memory_space<hbm>>
    %dma_start3A_31 = tpu.memref_squeeze %dma_start3A_30 : memref<1x32000xf32, #tpu.memory_space<hbm>> -> memref<32000xf32, #tpu.memory_space<hbm>>
    %dma_start3A_32 = arith.constant 0 : i32
    %dma_start3A_33 = tpu.memref_slice %arg2[%add3A_28, %dma_start3A_32] : memref<2048x32000xf32, #tpu.memory_space<hbm>> -> memref<1x32000xf32, #tpu.memory_space<hbm>>
    %dma_start3A_34 = tpu.memref_squeeze %dma_start3A_33 : memref<1x32000xf32, #tpu.memory_space<hbm>> -> memref<32000xf32, #tpu.memory_space<hbm>>
    tpu.enqueue_dma source(%dma_start3A_34 : memref<32000xf32, #tpu.memory_space<hbm>>) target(%arg9 : memref<32000xf32, #tpu.memory_space<vmem>>) target_semaphore(%arg17 : memref<!tpu.dma_semaphore, #tpu.memory_space<semaphore_mem>>)
    %broadcast_in_dim3A = arith.constant 0.000000e+00 : f32
    %broadcast_in_dim3A_35 = vector.broadcast %broadcast_in_dim3A : f32 to vector<16xf32>
    %iota3A = tpu.iota {dimensions = array<i32: 0>} : vector<16xi32>
    %scan3A = arith.constant 0 : i32
    %scan3A_36 = arith.constant 0 : i32
    %scan3A_37 = arith.constant 19 : i32
    %scan3A_38 = arith.addi %scan3A_36, %scan3A_37 : i32
    %scan3A_39 = arith.constant 1 : i32
    scf.for %scan3A_94 = %scan3A_36 to %scan3A_38 step %scan3A_39  : i32 {
      %mul3A_95 = arith.constant 2 : i32
      %mul3A_96 = arith.muli %scan3A_94, %mul3A_95 : i32
      %add3A_97 = arith.addi %mul3A_2, %mul3A_96 : i32
      %dma_wait3A = arith.constant 0 : i32
      %dma_wait3A_98 = tpu.memref_slice %arg2[%add3A_97, %dma_wait3A] : memref<2048x32000xf32, #tpu.memory_space<hbm>> -> memref<1x32000xf32, #tpu.memory_space<hbm>>
      %dma_wait3A_99 = tpu.memref_squeeze %dma_wait3A_98 : memref<1x32000xf32, #tpu.memory_space<hbm>> -> memref<32000xf32, #tpu.memory_space<hbm>>
      %dma_wait3A_100 = arith.constant 0 : i32
      %dma_wait3A_101 = tpu.memref_slice %arg2[%add3A_97, %dma_wait3A_100] : memref<2048x32000xf32, #tpu.memory_space<hbm>> -> memref<1x32000xf32, #tpu.memory_space<hbm>>
      %dma_wait3A_102 = tpu.memref_squeeze %dma_wait3A_101 : memref<1x32000xf32, #tpu.memory_space<hbm>> -> memref<32000xf32, #tpu.memory_space<hbm>>
      tpu.wait_dma2 semaphore(%arg16 : memref<!tpu.dma_semaphore, #tpu.memory_space<semaphore_mem>>) src(%dma_wait3A_102 : memref<32000xf32, #tpu.memory_space<hbm>>) dst(%arg8 : memref<32000xf32, #tpu.memory_space<vmem>>)
      %add3A_103 = arith.addi %mul3A_96, %sub3A_21 : i32
      %jit3A_104 = arith.constant 16 : i32
      %div3A_105 = arith.divsi %add3A_103, %jit3A_104 : i32
      %sign3A_106 = arith.constant 0 : i32
      %sign3A_107 = arith.cmpi sgt, %add3A_103, %sign3A_106 : i32
      %sign3A_108 = arith.extui %sign3A_107 : i1 to i32
      %sign3A_109 = arith.constant 0 : i32
      %sign3A_110 = arith.cmpi slt, %add3A_103, %sign3A_109 : i32
      %sign3A_111 = arith.extui %sign3A_110 : i1 to i32
      %sign3A_112 = arith.subi %sign3A_108, %sign3A_111 : i32
      %sign3A_113 = arith.constant 0 : i32
      %sign3A_114 = arith.cmpi sgt, %jit3A_104, %sign3A_113 : i32
      %sign3A_115 = arith.extui %sign3A_114 : i1 to i32
      %sign3A_116 = arith.constant 0 : i32
      %sign3A_117 = arith.cmpi slt, %jit3A_104, %sign3A_116 : i32
      %sign3A_118 = arith.extui %sign3A_117 : i1 to i32
      %sign3A_119 = arith.subi %sign3A_115, %sign3A_118 : i32
      %ne3A_120 = arith.cmpi ne, %sign3A_112, %sign3A_119 : i32
      %rem3A_121 = arith.remsi %add3A_103, %jit3A_104 : i32
      %ne3A_122 = arith.constant 0 : i32
      %ne3A_123 = arith.cmpi ne, %rem3A_121, %ne3A_122 : i32
      %and3A_124 = arith.andi %ne3A_120, %ne3A_123 : i1
      %sub3A_125 = arith.constant 1 : i32
      %sub3A_126 = arith.subi %div3A_105, %sub3A_125 : i32
      %select_n3A_127 = arith.select %and3A_124, %sub3A_126, %div3A_105 : i32
      %mul3A_128 = arith.constant 16 : i32
      %mul3A_129 = arith.muli %select_n3A_127, %mul3A_128 : i32
      %get3A = arith.index_cast %mul3A_129 : i32 to index
      %get3A_130 = tpu.vector_load %arg10[%get3A] {strides = array<i32>} : memref<48xi32, #tpu.memory_space<vmem>>, vector<16xi32>,
      %get3A_131 = vector.shape_cast %get3A_130 : vector<16xi32> to vector<16xi32>
      %jit3A_132 = arith.constant 16 : i32
      %eq3A = arith.constant 0 : i32
      %eq3A_133 = arith.cmpi eq, %jit3A_132, %eq3A : i32
      %jit3A_134 = arith.constant 1 : i32
      %select_n3A_135 = arith.select %eq3A_133, %jit3A_134, %jit3A_132 : i32
      %rem3A_136 = arith.remsi %add3A_103, %select_n3A_135 : i32
      %ne3A_137 = arith.constant 0 : i32
      %ne3A_138 = arith.cmpi ne, %rem3A_136, %ne3A_137 : i32
      %lt3A = arith.constant 0 : i32
      %lt3A_139 = arith.cmpi slt, %rem3A_136, %lt3A : i32
      %lt3A_140 = arith.constant 0 : i32
      %lt3A_141 = arith.cmpi slt, %select_n3A_135, %lt3A_140 : i32
      %ne3A_142 = arith.xori %lt3A_139, %lt3A_141 : i1
      %and3A_143 = arith.andi %ne3A_142, %ne3A_138 : i1
      %add3A_144 = arith.addi %rem3A_136, %select_n3A_135 : i32
      %select_n3A_145 = arith.select %and3A_143, %add3A_144, %rem3A_136 : i32
      %broadcast_in_dim3A_146 = vector.broadcast %select_n3A_145 : i32 to vector<16x1xi32>
      %gather3A = vector.shape_cast %broadcast_in_dim3A_146 : vector<16x1xi32> to vector<16xi32>
      %gather3A_147 = tpu.dynamic_gather %get3A_131[%gather3A] in [0] : vector<16xi32>, vector<16xi32> -> vector<16xi32>
      %swap3A_148 = arith.constant 0 : index
      %swap3A_149 = tpu.vector_load %arg11[%swap3A_148] {strides = array<i32>} : memref<16xi32, #tpu.memory_space<vmem>>, vector<16xi32>,
      %swap3A_150 = vector.shape_cast %swap3A_149 : vector<16xi32> to vector<16xi32>
      %swap3A_151 = vector.shape_cast %gather3A_147 : vector<16xi32> to vector<16xi32>
      tpu.vector_store %arg11[%swap3A_148], %swap3A_151 {strides = array<i32>} : memref<16xi32, #tpu.memory_space<vmem>>, vector<16xi32>,
      %get3A_152 = arith.constant 0 : index
      %get3A_153 = tpu.vector_load %arg11[%get3A_152] {strides = array<i32>} : memref<16xi32, #tpu.memory_space<vmem>>, vector<16xi32>,
      %get3A_154 = vector.shape_cast %get3A_153 : vector<16xi32> to vector<16xi32>
      %slice3A = vector.extract_strided_slice %get3A_154 {offsets = [0], sizes = [1], strides = [1]} : vector<16xi32> to vector<1xi32>
      %squeeze3A = vector.extract %slice3A[0] : i32 from vector<1xi32>
      %jit3A_155 = arith.constant 16 : i32
      %div3A_156 = arith.divsi %squeeze3A, %jit3A_155 : i32
      %sign3A_157 = arith.constant 0 : i32
      %sign3A_158 = arith.cmpi sgt, %squeeze3A, %sign3A_157 : i32
      %sign3A_159 = arith.extui %sign3A_158 : i1 to i32
      %sign3A_160 = arith.constant 0 : i32
      %sign3A_161 = arith.cmpi slt, %squeeze3A, %sign3A_160 : i32
      %sign3A_162 = arith.extui %sign3A_161 : i1 to i32
      %sign3A_163 = arith.subi %sign3A_159, %sign3A_162 : i32
      %sign3A_164 = arith.constant 0 : i32
      %sign3A_165 = arith.cmpi sgt, %jit3A_155, %sign3A_164 : i32
      %sign3A_166 = arith.extui %sign3A_165 : i1 to i32
      %sign3A_167 = arith.constant 0 : i32
      %sign3A_168 = arith.cmpi slt, %jit3A_155, %sign3A_167 : i32
      %sign3A_169 = arith.extui %sign3A_168 : i1 to i32
      %sign3A_170 = arith.subi %sign3A_166, %sign3A_169 : i32
      %ne3A_171 = arith.cmpi ne, %sign3A_163, %sign3A_170 : i32
      %rem3A_172 = arith.remsi %squeeze3A, %jit3A_155 : i32
      %ne3A_173 = arith.constant 0 : i32
      %ne3A_174 = arith.cmpi ne, %rem3A_172, %ne3A_173 : i32
      %and3A_175 = arith.andi %ne3A_171, %ne3A_174 : i1
      %sub3A_176 = arith.constant 1 : i32
      %sub3A_177 = arith.subi %div3A_156, %sub3A_176 : i32
      %select_n3A_178 = arith.select %and3A_175, %sub3A_177, %div3A_156 : i32
      %parallel_loop3A = arith.constant 0 : i32
      %parallel_loop3A_179 = arith.constant 32000 : i32
      %parallel_loop3A_180 = arith.constant 128 : i32
      %parallel_loop3A_181:16 = scf.for %parallel_loop3A_395 = %parallel_loop3A to %parallel_loop3A_179 step %parallel_loop3A_180 iter_args(%parallel_loop3A_396 = %broadcast_in_dim3A_35, %parallel_loop3A_397 = %broadcast_in_dim3A_35, %parallel_loop3A_398 = %broadcast_in_dim3A_35, %parallel_loop3A_399 = %broadcast_in_dim3A_35, %parallel_loop3A_400 = %broadcast_in_dim3A_35, %parallel_loop3A_401 = %broadcast_in_dim3A_35, %parallel_loop3A_402 = %broadcast_in_dim3A_35, %parallel_loop3A_403 = %broadcast_in_dim3A_35, %parallel_loop3A_404 = %broadcast_in_dim3A_35, %parallel_loop3A_405 = %broadcast_in_dim3A_35, %parallel_loop3A_406 = %broadcast_in_dim3A_35, %parallel_loop3A_407 = %broadcast_in_dim3A_35, %parallel_loop3A_408 = %broadcast_in_dim3A_35, %parallel_loop3A_409 = %broadcast_in_dim3A_35, %parallel_loop3A_410 = %broadcast_in_dim3A_35, %parallel_loop3A_411 = %broadcast_in_dim3A_35) -> (vector<16xf32>, vector<16xf32>, vector<16xf32>, vector<16xf32>, vector<16xf32>, vector<16xf32>, vector<16xf32>, vector<16xf32>, vector<16xf32>, vector<16xf32>, vector<16xf32>, vector<16xf32>, vector<16xf32>, vector<16xf32>, vector<16xf32>, vector<16xf32>)  : i32 {
        %parallel_loop3A_412 = arith.constant 0 : i32
        %parallel_loop3A_413 = arith.addi %parallel_loop3A_395, %parallel_loop3A_412 : i32
        %parallel_loop3A_414 = arith.index_cast %parallel_loop3A_413 : i32 to index
        %parallel_loop3A_415 = tpu.vector_load %arg8[%parallel_loop3A_414] {strides = array<i32>} : memref<32000xf32, #tpu.memory_space<vmem>>, vector<16xf32>,
        %parallel_loop3A_416 = vector.shape_cast %parallel_loop3A_415 : vector<16xf32> to vector<16xf32>
        %parallel_loop3A_417 = math.exp %parallel_loop3A_416 : vector<16xf32>
        %parallel_loop3A_418 = arith.addf %parallel_loop3A_396, %parallel_loop3A_417 : vector<16xf32>
        %parallel_loop3A_419 = arith.addf %parallel_loop3A_397, %parallel_loop3A_416 : vector<16xf32>
        %parallel_loop3A_420 = arith.constant 16 : i32
        %parallel_loop3A_421 = arith.addi %parallel_loop3A_395, %parallel_loop3A_420 : i32
        %parallel_loop3A_422 = arith.index_cast %parallel_loop3A_421 : i32 to index
        %parallel_loop3A_423 = tpu.vector_load %arg8[%parallel_loop3A_422] {strides = array<i32>} : memref<32000xf32, #tpu.memory_space<vmem>>, vector<16xf32>,
        %parallel_loop3A_424 = vector.shape_cast %parallel_loop3A_423 : vector<16xf32> to vector<16xf32>
        %parallel_loop3A_425 = math.exp %parallel_loop3A_424 : vector<16xf32>
        %parallel_loop3A_426 = arith.addf %parallel_loop3A_398, %parallel_loop3A_425 : vector<16xf32>
        %parallel_loop3A_427 = arith.addf %parallel_loop3A_399, %parallel_loop3A_424 : vector<16xf32>
        %parallel_loop3A_428 = arith.constant 32 : i32
        %parallel_loop3A_429 = arith.addi %parallel_loop3A_395, %parallel_loop3A_428 : i32
        %parallel_loop3A_430 = arith.index_cast %parallel_loop3A_429 : i32 to index
        %parallel_loop3A_431 = tpu.vector_load %arg8[%parallel_loop3A_430] {strides = array<i32>} : memref<32000xf32, #tpu.memory_space<vmem>>, vector<16xf32>,
        %parallel_loop3A_432 = vector.shape_cast %parallel_loop3A_431 : vector<16xf32> to vector<16xf32>
        %parallel_loop3A_433 = math.exp %parallel_loop3A_432 : vector<16xf32>
        %parallel_loop3A_434 = arith.addf %parallel_loop3A_400, %parallel_loop3A_433 : vector<16xf32>
        %parallel_loop3A_435 = arith.addf %parallel_loop3A_401, %parallel_loop3A_432 : vector<16xf32>
        %parallel_loop3A_436 = arith.constant 48 : i32
        %parallel_loop3A_437 = arith.addi %parallel_loop3A_395, %parallel_loop3A_436 : i32
        %parallel_loop3A_438 = arith.index_cast %parallel_loop3A_437 : i32 to index
        %parallel_loop3A_439 = tpu.vector_load %arg8[%parallel_loop3A_438] {strides = array<i32>} : memref<32000xf32, #tpu.memory_space<vmem>>, vector<16xf32>,
        %parallel_loop3A_440 = vector.shape_cast %parallel_loop3A_439 : vector<16xf32> to vector<16xf32>
        %parallel_loop3A_441 = math.exp %parallel_loop3A_440 : vector<16xf32>
        %parallel_loop3A_442 = arith.addf %parallel_loop3A_402, %parallel_loop3A_441 : vector<16xf32>
        %parallel_loop3A_443 = arith.addf %parallel_loop3A_403, %parallel_loop3A_440 : vector<16xf32>
        %parallel_loop3A_444 = arith.constant 64 : i32
        %parallel_loop3A_445 = arith.addi %parallel_loop3A_395, %parallel_loop3A_444 : i32
        %parallel_loop3A_446 = arith.index_cast %parallel_loop3A_445 : i32 to index
        %parallel_loop3A_447 = tpu.vector_load %arg8[%parallel_loop3A_446] {strides = array<i32>} : memref<32000xf32, #tpu.memory_space<vmem>>, vector<16xf32>,
        %parallel_loop3A_448 = vector.shape_cast %parallel_loop3A_447 : vector<16xf32> to vector<16xf32>
        %parallel_loop3A_449 = math.exp %parallel_loop3A_448 : vector<16xf32>
        %parallel_loop3A_450 = arith.addf %parallel_loop3A_404, %parallel_loop3A_449 : vector<16xf32>
        %parallel_loop3A_451 = arith.addf %parallel_loop3A_405, %parallel_loop3A_448 : vector<16xf32>
        %parallel_loop3A_452 = arith.constant 80 : i32
        %parallel_loop3A_453 = arith.addi %parallel_loop3A_395, %parallel_loop3A_452 : i32
        %parallel_loop3A_454 = arith.index_cast %parallel_loop3A_453 : i32 to index
        %parallel_loop3A_455 = tpu.vector_load %arg8[%parallel_loop3A_454] {strides = array<i32>} : memref<32000xf32, #tpu.memory_space<vmem>>, vector<16xf32>,
        %parallel_loop3A_456 = vector.shape_cast %parallel_loop3A_455 : vector<16xf32> to vector<16xf32>
        %parallel_loop3A_457 = math.exp %parallel_loop3A_456 : vector<16xf32>
        %parallel_loop3A_458 = arith.addf %parallel_loop3A_406, %parallel_loop3A_457 : vector<16xf32>
        %parallel_loop3A_459 = arith.addf %parallel_loop3A_407, %parallel_loop3A_456 : vector<16xf32>
        %parallel_loop3A_460 = arith.constant 96 : i32
        %parallel_loop3A_461 = arith.addi %parallel_loop3A_395, %parallel_loop3A_460 : i32
        %parallel_loop3A_462 = arith.index_cast %parallel_loop3A_461 : i32 to index
        %parallel_loop3A_463 = tpu.vector_load %arg8[%parallel_loop3A_462] {strides = array<i32>} : memref<32000xf32, #tpu.memory_space<vmem>>, vector<16xf32>,
        %parallel_loop3A_464 = vector.shape_cast %parallel_loop3A_463 : vector<16xf32> to vector<16xf32>
        %parallel_loop3A_465 = math.exp %parallel_loop3A_464 : vector<16xf32>
        %parallel_loop3A_466 = arith.addf %parallel_loop3A_408, %parallel_loop3A_465 : vector<16xf32>
        %parallel_loop3A_467 = arith.addf %parallel_loop3A_409, %parallel_loop3A_464 : vector<16xf32>
        %parallel_loop3A_468 = arith.constant 112 : i32
        %parallel_loop3A_469 = arith.addi %parallel_loop3A_395, %parallel_loop3A_468 : i32
        %parallel_loop3A_470 = arith.index_cast %parallel_loop3A_469 : i32 to index
        %parallel_loop3A_471 = tpu.vector_load %arg8[%parallel_loop3A_470] {strides = array<i32>} : memref<32000xf32, #tpu.memory_space<vmem>>, vector<16xf32>,
        %parallel_loop3A_472 = vector.shape_cast %parallel_loop3A_471 : vector<16xf32> to vector<16xf32>
        %parallel_loop3A_473 = math.exp %parallel_loop3A_472 : vector<16xf32>
        %parallel_loop3A_474 = arith.addf %parallel_loop3A_410, %parallel_loop3A_473 : vector<16xf32>
        %parallel_loop3A_475 = arith.addf %parallel_loop3A_411, %parallel_loop3A_472 : vector<16xf32>
        scf.yield %parallel_loop3A_418, %parallel_loop3A_419, %parallel_loop3A_426, %parallel_loop3A_427, %parallel_loop3A_434, %parallel_loop3A_435, %parallel_loop3A_442, %parallel_loop3A_443, %parallel_loop3A_450, %parallel_loop3A_451, %parallel_loop3A_458, %parallel_loop3A_459, %parallel_loop3A_466, %parallel_loop3A_467, %parallel_loop3A_474, %parallel_loop3A_475 : vector<16xf32>, vector<16xf32>, vector<16xf32>, vector<16xf32>, vector<16xf32>, vector<16xf32>, vector<16xf32>, vector<16xf32>, vector<16xf32>, vector<16xf32>, vector<16xf32>, vector<16xf32>, vector<16xf32>, vector<16xf32>, vector<16xf32>, vector<16xf32>
      } {sc.loop_unroll_factor = 1 : i64, sc.parallel_access}
      %add3A_182 = arith.addf %broadcast_in_dim3A_35, %parallel_loop3A_181#0 : vector<16xf32>
      %add3A_183 = arith.addf %broadcast_in_dim3A_35, %parallel_loop3A_181#1 : vector<16xf32>
      %add3A_184 = arith.addf %add3A_182, %parallel_loop3A_181#2 : vector<16xf32>
      %add3A_185 = arith.addf %add3A_183, %parallel_loop3A_181#3 : vector<16xf32>
      %add3A_186 = arith.addf %add3A_184, %parallel_loop3A_181#4 : vector<16xf32>
      %add3A_187 = arith.addf %add3A_185, %parallel_loop3A_181#5 : vector<16xf32>
      %add3A_188 = arith.addf %add3A_186, %parallel_loop3A_181#6 : vector<16xf32>
      %add3A_189 = arith.addf %add3A_187, %parallel_loop3A_181#7 : vector<16xf32>
      %add3A_190 = arith.addf %add3A_188, %parallel_loop3A_181#8 : vector<16xf32>
      %add3A_191 = arith.addf %add3A_189, %parallel_loop3A_181#9 : vector<16xf32>
      %add3A_192 = arith.addf %add3A_190, %parallel_loop3A_181#10 : vector<16xf32>
      %add3A_193 = arith.addf %add3A_191, %parallel_loop3A_181#11 : vector<16xf32>
      %add3A_194 = arith.addf %add3A_192, %parallel_loop3A_181#12 : vector<16xf32>
      %add3A_195 = arith.addf %add3A_193, %parallel_loop3A_181#13 : vector<16xf32>
      %add3A_196 = arith.addf %add3A_194, %parallel_loop3A_181#14 : vector<16xf32>
      %add3A_197 = arith.addf %add3A_195, %parallel_loop3A_181#15 : vector<16xf32>
      %mul3A_198 = arith.constant 16 : i32
      %mul3A_199 = arith.muli %select_n3A_178, %mul3A_198 : i32
      %get3A_200 = arith.index_cast %mul3A_199 : i32 to index
      %get3A_201 = tpu.vector_load %arg8[%get3A_200] {strides = array<i32>} : memref<32000xf32, #tpu.memory_space<vmem>>, vector<16xf32>,
      %get3A_202 = vector.shape_cast %get3A_201 : vector<16xf32> to vector<16xf32>
      %mul3A_203 = arith.constant 16 : i32
      %mul3A_204 = arith.muli %select_n3A_178, %mul3A_203 : i32
      %sub3A_205 = arith.subi %squeeze3A, %mul3A_204 : i32
      %eq3A_206 = vector.broadcast %sub3A_205 : i32 to vector<16xi32>
      %eq3A_207 = arith.cmpi eq, %iota3A, %eq3A_206 : vector<16xi32>
      %jit3A_208 = arith.constant 0.000000e+00 : f32
      %broadcast_in_dim3A_209 = vector.broadcast %jit3A_208 : f32 to vector<16xf32>
      %select_n3A_210 = arith.select %eq3A_207, %get3A_202, %broadcast_in_dim3A_209 : vector<16xi1>, vector<16xf32>
      %get3A_211 = arith.constant 0 : index
      %get3A_212 = tpu.vector_load %arg8[%get3A_211] {strides = array<i32>} : memref<32000xf32, #tpu.memory_space<vmem>>, vector<16xf32>,
      %get3A_213 = vector.shape_cast %get3A_212 : vector<16xf32> to vector<16xf32>
      %add3A_214 = arith.constant 2 : i32
      %add3A_215 = arith.addi %mul3A_96, %add3A_214 : i32
      %lt3A_216 = arith.constant 38 : i32
      %lt3A_217 = arith.cmpi slt, %add3A_215, %lt3A_216 : i32
      %convert_element_type3A = arith.extui %lt3A_217 : i1 to i32
      %cond3A = arith.constant 0 : i32
      %cond3A_218 = arith.cmpi ne, %convert_element_type3A, %cond3A : i32
      scf.if %cond3A_218 {
        %add3A_395 = arith.addi %mul3A_2, %mul3A_96 : i32
        %add3A_396 = arith.constant 2 : i32
        %add3A_397 = arith.addi %add3A_395, %add3A_396 : i32
        %dma_start3A_398 = arith.constant 0 : i32
        %dma_start3A_399 = tpu.memref_slice %arg2[%add3A_397, %dma_start3A_398] : memref<2048x32000xf32, #tpu.memory_space<hbm>> -> memref<1x32000xf32, #tpu.memory_space<hbm>>
        %dma_start3A_400 = tpu.memref_squeeze %dma_start3A_399 : memref<1x32000xf32, #tpu.memory_space<hbm>> -> memref<32000xf32, #tpu.memory_space<hbm>>
        %dma_start3A_401 = arith.constant 0 : i32
        %dma_start3A_402 = tpu.memref_slice %arg2[%add3A_397, %dma_start3A_401] : memref<2048x32000xf32, #tpu.memory_space<hbm>> -> memref<1x32000xf32, #tpu.memory_space<hbm>>
        %dma_start3A_403 = tpu.memref_squeeze %dma_start3A_402 : memref<1x32000xf32, #tpu.memory_space<hbm>> -> memref<32000xf32, #tpu.memory_space<hbm>>
        tpu.enqueue_dma source(%dma_start3A_403 : memref<32000xf32, #tpu.memory_space<hbm>>) target(%arg8 : memref<32000xf32, #tpu.memory_space<vmem>>) target_semaphore(%arg16 : memref<!tpu.dma_semaphore, #tpu.memory_space<semaphore_mem>>)
      } else {
      }
      %swap3A_219 = arith.index_cast %mul3A_96 : i32 to index
      %swap3A_220 = arith.constant 0 : index
      %swap3A_221 = tpu.vector_load %arg12[%swap3A_219, %swap3A_220] {strides = array<i32>} : memref<40x16xf32, #tpu.memory_space<vmem>>, vector<1x16xf32>,
      %swap3A_222 = vector.shape_cast %swap3A_221 : vector<1x16xf32> to vector<16xf32>
      %swap3A_223 = vector.shape_cast %add3A_196 : vector<16xf32> to vector<1x16xf32>
      tpu.vector_store %arg12[%swap3A_219, %swap3A_220], %swap3A_223 {strides = array<i32>} : memref<40x16xf32, #tpu.memory_space<vmem>>, vector<1x16xf32>,
      %swap3A_224 = arith.index_cast %mul3A_96 : i32 to index
      %swap3A_225 = arith.constant 0 : index
      %swap3A_226 = tpu.vector_load %arg13[%swap3A_224, %swap3A_225] {strides = array<i32>} : memref<40x16xf32, #tpu.memory_space<vmem>>, vector<1x16xf32>,
      %swap3A_227 = vector.shape_cast %swap3A_226 : vector<1x16xf32> to vector<16xf32>
      %swap3A_228 = vector.shape_cast %add3A_197 : vector<16xf32> to vector<1x16xf32>
      tpu.vector_store %arg13[%swap3A_224, %swap3A_225], %swap3A_228 {strides = array<i32>} : memref<40x16xf32, #tpu.memory_space<vmem>>, vector<1x16xf32>,
      %swap3A_229 = arith.index_cast %mul3A_96 : i32 to index
      %swap3A_230 = arith.constant 0 : index
      %swap3A_231 = tpu.vector_load %arg14[%swap3A_229, %swap3A_230] {strides = array<i32>} : memref<40x16xf32, #tpu.memory_space<vmem>>, vector<1x16xf32>,
      %swap3A_232 = vector.shape_cast %swap3A_231 : vector<1x16xf32> to vector<16xf32>
      %swap3A_233 = vector.shape_cast %select_n3A_210 : vector<16xf32> to vector<1x16xf32>
      tpu.vector_store %arg14[%swap3A_229, %swap3A_230], %swap3A_233 {strides = array<i32>} : memref<40x16xf32, #tpu.memory_space<vmem>>, vector<1x16xf32>,
      %swap3A_234 = arith.index_cast %mul3A_96 : i32 to index
      %swap3A_235 = arith.constant 0 : index
      %swap3A_236 = tpu.vector_load %arg15[%swap3A_234, %swap3A_235] {strides = array<i32>} : memref<40x16xf32, #tpu.memory_space<vmem>>, vector<1x16xf32>,
      %swap3A_237 = vector.shape_cast %swap3A_236 : vector<1x16xf32> to vector<16xf32>
      %swap3A_238 = vector.shape_cast %get3A_213 : vector<16xf32> to vector<1x16xf32>
      tpu.vector_store %arg15[%swap3A_234, %swap3A_235], %swap3A_238 {strides = array<i32>} : memref<40x16xf32, #tpu.memory_space<vmem>>, vector<1x16xf32>,
      %mul3A_239 = arith.constant 2 : i32
      %mul3A_240 = arith.muli %scan3A_94, %mul3A_239 : i32
      %add3A_241 = arith.constant 1 : i32
      %add3A_242 = arith.addi %mul3A_240, %add3A_241 : i32
      %add3A_243 = arith.addi %mul3A_2, %add3A_242 : i32
      %dma_wait3A_244 = arith.constant 0 : i32
      %dma_wait3A_245 = tpu.memref_slice %arg2[%add3A_243, %dma_wait3A_244] : memref<2048x32000xf32, #tpu.memory_space<hbm>> -> memref<1x32000xf32, #tpu.memory_space<hbm>>
      %dma_wait3A_246 = tpu.memref_squeeze %dma_wait3A_245 : memref<1x32000xf32, #tpu.memory_space<hbm>> -> memref<32000xf32, #tpu.memory_space<hbm>>
      %dma_wait3A_247 = arith.constant 0 : i32
      %dma_wait3A_248 = tpu.memref_slice %arg2[%add3A_243, %dma_wait3A_247] : memref<2048x32000xf32, #tpu.memory_space<hbm>> -> memref<1x32000xf32, #tpu.memory_space<hbm>>
      %dma_wait3A_249 = tpu.memref_squeeze %dma_wait3A_248 : memref<1x32000xf32, #tpu.memory_space<hbm>> -> memref<32000xf32, #tpu.memory_space<hbm>>
      tpu.wait_dma2 semaphore(%arg17 : memref<!tpu.dma_semaphore, #tpu.memory_space<semaphore_mem>>) src(%dma_wait3A_249 : memref<32000xf32, #tpu.memory_space<hbm>>) dst(%arg9 : memref<32000xf32, #tpu.memory_space<vmem>>)
      %add3A_250 = arith.addi %add3A_242, %sub3A_21 : i32
      %jit3A_251 = arith.constant 16 : i32
      %div3A_252 = arith.divsi %add3A_250, %jit3A_251 : i32
      %sign3A_253 = arith.constant 0 : i32
      %sign3A_254 = arith.cmpi sgt, %add3A_250, %sign3A_253 : i32
      %sign3A_255 = arith.extui %sign3A_254 : i1 to i32
      %sign3A_256 = arith.constant 0 : i32
      %sign3A_257 = arith.cmpi slt, %add3A_250, %sign3A_256 : i32
      %sign3A_258 = arith.extui %sign3A_257 : i1 to i32
      %sign3A_259 = arith.subi %sign3A_255, %sign3A_258 : i32
      %sign3A_260 = arith.constant 0 : i32
      %sign3A_261 = arith.cmpi sgt, %jit3A_251, %sign3A_260 : i32
      %sign3A_262 = arith.extui %sign3A_261 : i1 to i32
      %sign3A_263 = arith.constant 0 : i32
      %sign3A_264 = arith.cmpi slt, %jit3A_251, %sign3A_263 : i32
      %sign3A_265 = arith.extui %sign3A_264 : i1 to i32
      %sign3A_266 = arith.subi %sign3A_262, %sign3A_265 : i32
      %ne3A_267 = arith.cmpi ne, %sign3A_259, %sign3A_266 : i32
      %rem3A_268 = arith.remsi %add3A_250, %jit3A_251 : i32
      %ne3A_269 = arith.constant 0 : i32
      %ne3A_270 = arith.cmpi ne, %rem3A_268, %ne3A_269 : i32
      %and3A_271 = arith.andi %ne3A_267, %ne3A_270 : i1
      %sub3A_272 = arith.constant 1 : i32
      %sub3A_273 = arith.subi %div3A_252, %sub3A_272 : i32
      %select_n3A_274 = arith.select %and3A_271, %sub3A_273, %div3A_252 : i32
      %mul3A_275 = arith.constant 16 : i32
      %mul3A_276 = arith.muli %select_n3A_274, %mul3A_275 : i32
      %get3A_277 = arith.index_cast %mul3A_276 : i32 to index
      %get3A_278 = tpu.vector_load %arg10[%get3A_277] {strides = array<i32>} : memref<48xi32, #tpu.memory_space<vmem>>, vector<16xi32>,
      %get3A_279 = vector.shape_cast %get3A_278 : vector<16xi32> to vector<16xi32>
      %jit3A_280 = arith.constant 16 : i32
      %eq3A_281 = arith.constant 0 : i32
      %eq3A_282 = arith.cmpi eq, %jit3A_280, %eq3A_281 : i32
      %jit3A_283 = arith.constant 1 : i32
      %select_n3A_284 = arith.select %eq3A_282, %jit3A_283, %jit3A_280 : i32
      %rem3A_285 = arith.remsi %add3A_250, %select_n3A_284 : i32
      %ne3A_286 = arith.constant 0 : i32
      %ne3A_287 = arith.cmpi ne, %rem3A_285, %ne3A_286 : i32
      %lt3A_288 = arith.constant 0 : i32
      %lt3A_289 = arith.cmpi slt, %rem3A_285, %lt3A_288 : i32
      %lt3A_290 = arith.constant 0 : i32
      %lt3A_291 = arith.cmpi slt, %select_n3A_284, %lt3A_290 : i32
      %ne3A_292 = arith.xori %lt3A_289, %lt3A_291 : i1
      %and3A_293 = arith.andi %ne3A_292, %ne3A_287 : i1
      %add3A_294 = arith.addi %rem3A_285, %select_n3A_284 : i32
      %select_n3A_295 = arith.select %and3A_293, %add3A_294, %rem3A_285 : i32
      %broadcast_in_dim3A_296 = vector.broadcast %select_n3A_295 : i32 to vector<16x1xi32>
      %gather3A_297 = vector.shape_cast %broadcast_in_dim3A_296 : vector<16x1xi32> to vector<16xi32>
      %gather3A_298 = tpu.dynamic_gather %get3A_279[%gather3A_297] in [0] : vector<16xi32>, vector<16xi32> -> vector<16xi32>
      %swap3A_299 = arith.constant 0 : index
      %swap3A_300 = tpu.vector_load %arg11[%swap3A_299] {strides = array<i32>} : memref<16xi32, #tpu.memory_space<vmem>>, vector<16xi32>,
      %swap3A_301 = vector.shape_cast %swap3A_300 : vector<16xi32> to vector<16xi32>
      %swap3A_302 = vector.shape_cast %gather3A_298 : vector<16xi32> to vector<16xi32>
      tpu.vector_store %arg11[%swap3A_299], %swap3A_302 {strides = array<i32>} : memref<16xi32, #tpu.memory_space<vmem>>, vector<16xi32>,
      %get3A_303 = arith.constant 0 : index
      %get3A_304 = tpu.vector_load %arg11[%get3A_303] {strides = array<i32>} : memref<16xi32, #tpu.memory_space<vmem>>, vector<16xi32>,
      %get3A_305 = vector.shape_cast %get3A_304 : vector<16xi32> to vector<16xi32>
      %slice3A_306 = vector.extract_strided_slice %get3A_305 {offsets = [0], sizes = [1], strides = [1]} : vector<16xi32> to vector<1xi32>
      %squeeze3A_307 = vector.extract %slice3A_306[0] : i32 from vector<1xi32>
      %jit3A_308 = arith.constant 16 : i32
      %div3A_309 = arith.divsi %squeeze3A_307, %jit3A_308 : i32
      %sign3A_310 = arith.constant 0 : i32
      %sign3A_311 = arith.cmpi sgt, %squeeze3A_307, %sign3A_310 : i32
      %sign3A_312 = arith.extui %sign3A_311 : i1 to i32
      %sign3A_313 = arith.constant 0 : i32
      %sign3A_314 = arith.cmpi slt, %squeeze3A_307, %sign3A_313 : i32
      %sign3A_315 = arith.extui %sign3A_314 : i1 to i32
      %sign3A_316 = arith.subi %sign3A_312, %sign3A_315 : i32
      %sign3A_317 = arith.constant 0 : i32
      %sign3A_318 = arith.cmpi sgt, %jit3A_308, %sign3A_317 : i32
      %sign3A_319 = arith.extui %sign3A_318 : i1 to i32
      %sign3A_320 = arith.constant 0 : i32
      %sign3A_321 = arith.cmpi slt, %jit3A_308, %sign3A_320 : i32
      %sign3A_322 = arith.extui %sign3A_321 : i1 to i32
      %sign3A_323 = arith.subi %sign3A_319, %sign3A_322 : i32
      %ne3A_324 = arith.cmpi ne, %sign3A_316, %sign3A_323 : i32
      %rem3A_325 = arith.remsi %squeeze3A_307, %jit3A_308 : i32
      %ne3A_326 = arith.constant 0 : i32
      %ne3A_327 = arith.cmpi ne, %rem3A_325, %ne3A_326 : i32
      %and3A_328 = arith.andi %ne3A_324, %ne3A_327 : i1
      %sub3A_329 = arith.constant 1 : i32
      %sub3A_330 = arith.subi %div3A_309, %sub3A_329 : i32
      %select_n3A_331 = arith.select %and3A_328, %sub3A_330, %div3A_309 : i32
      %parallel_loop3A_332 = arith.constant 0 : i32
      %parallel_loop3A_333 = arith.constant 32000 : i32
      %parallel_loop3A_334 = arith.constant 128 : i32
      %parallel_loop3A_335:16 = scf.for %parallel_loop3A_395 = %parallel_loop3A_332 to %parallel_loop3A_333 step %parallel_loop3A_334 iter_args(%parallel_loop3A_396 = %broadcast_in_dim3A_35, %parallel_loop3A_397 = %broadcast_in_dim3A_35, %parallel_loop3A_398 = %broadcast_in_dim3A_35, %parallel_loop3A_399 = %broadcast_in_dim3A_35, %parallel_loop3A_400 = %broadcast_in_dim3A_35, %parallel_loop3A_401 = %broadcast_in_dim3A_35, %parallel_loop3A_402 = %broadcast_in_dim3A_35, %parallel_loop3A_403 = %broadcast_in_dim3A_35, %parallel_loop3A_404 = %broadcast_in_dim3A_35, %parallel_loop3A_405 = %broadcast_in_dim3A_35, %parallel_loop3A_406 = %broadcast_in_dim3A_35, %parallel_loop3A_407 = %broadcast_in_dim3A_35, %parallel_loop3A_408 = %broadcast_in_dim3A_35, %parallel_loop3A_409 = %broadcast_in_dim3A_35, %parallel_loop3A_410 = %broadcast_in_dim3A_35, %parallel_loop3A_411 = %broadcast_in_dim3A_35) -> (vector<16xf32>, vector<16xf32>, vector<16xf32>, vector<16xf32>, vector<16xf32>, vector<16xf32>, vector<16xf32>, vector<16xf32>, vector<16xf32>, vector<16xf32>, vector<16xf32>, vector<16xf32>, vector<16xf32>, vector<16xf32>, vector<16xf32>, vector<16xf32>)  : i32 {
        %parallel_loop3A_412 = arith.constant 0 : i32
        %parallel_loop3A_413 = arith.addi %parallel_loop3A_395, %parallel_loop3A_412 : i32
        %parallel_loop3A_414 = arith.index_cast %parallel_loop3A_413 : i32 to index
        %parallel_loop3A_415 = tpu.vector_load %arg9[%parallel_loop3A_414] {strides = array<i32>} : memref<32000xf32, #tpu.memory_space<vmem>>, vector<16xf32>,
        %parallel_loop3A_416 = vector.shape_cast %parallel_loop3A_415 : vector<16xf32> to vector<16xf32>
        %parallel_loop3A_417 = math.exp %parallel_loop3A_416 : vector<16xf32>
        %parallel_loop3A_418 = arith.addf %parallel_loop3A_396, %parallel_loop3A_417 : vector<16xf32>
        %parallel_loop3A_419 = arith.addf %parallel_loop3A_397, %parallel_loop3A_416 : vector<16xf32>
        %parallel_loop3A_420 = arith.constant 16 : i32
        %parallel_loop3A_421 = arith.addi %parallel_loop3A_395, %parallel_loop3A_420 : i32
        %parallel_loop3A_422 = arith.index_cast %parallel_loop3A_421 : i32 to index
        %parallel_loop3A_423 = tpu.vector_load %arg9[%parallel_loop3A_422] {strides = array<i32>} : memref<32000xf32, #tpu.memory_space<vmem>>, vector<16xf32>,
        %parallel_loop3A_424 = vector.shape_cast %parallel_loop3A_423 : vector<16xf32> to vector<16xf32>
        %parallel_loop3A_425 = math.exp %parallel_loop3A_424 : vector<16xf32>
        %parallel_loop3A_426 = arith.addf %parallel_loop3A_398, %parallel_loop3A_425 : vector<16xf32>
        %parallel_loop3A_427 = arith.addf %parallel_loop3A_399, %parallel_loop3A_424 : vector<16xf32>
        %parallel_loop3A_428 = arith.constant 32 : i32
        %parallel_loop3A_429 = arith.addi %parallel_loop3A_395, %parallel_loop3A_428 : i32
        %parallel_loop3A_430 = arith.index_cast %parallel_loop3A_429 : i32 to index
        %parallel_loop3A_431 = tpu.vector_load %arg9[%parallel_loop3A_430] {strides = array<i32>} : memref<32000xf32, #tpu.memory_space<vmem>>, vector<16xf32>,
        %parallel_loop3A_432 = vector.shape_cast %parallel_loop3A_431 : vector<16xf32> to vector<16xf32>
        %parallel_loop3A_433 = math.exp %parallel_loop3A_432 : vector<16xf32>
        %parallel_loop3A_434 = arith.addf %parallel_loop3A_400, %parallel_loop3A_433 : vector<16xf32>
        %parallel_loop3A_435 = arith.addf %parallel_loop3A_401, %parallel_loop3A_432 : vector<16xf32>
        %parallel_loop3A_436 = arith.constant 48 : i32
        %parallel_loop3A_437 = arith.addi %parallel_loop3A_395, %parallel_loop3A_436 : i32
        %parallel_loop3A_438 = arith.index_cast %parallel_loop3A_437 : i32 to index
        %parallel_loop3A_439 = tpu.vector_load %arg9[%parallel_loop3A_438] {strides = array<i32>} : memref<32000xf32, #tpu.memory_space<vmem>>, vector<16xf32>,
        %parallel_loop3A_440 = vector.shape_cast %parallel_loop3A_439 : vector<16xf32> to vector<16xf32>
        %parallel_loop3A_441 = math.exp %parallel_loop3A_440 : vector<16xf32>
        %parallel_loop3A_442 = arith.addf %parallel_loop3A_402, %parallel_loop3A_441 : vector<16xf32>
        %parallel_loop3A_443 = arith.addf %parallel_loop3A_403, %parallel_loop3A_440 : vector<16xf32>
        %parallel_loop3A_444 = arith.constant 64 : i32
        %parallel_loop3A_445 = arith.addi %parallel_loop3A_395, %parallel_loop3A_444 : i32
        %parallel_loop3A_446 = arith.index_cast %parallel_loop3A_445 : i32 to index
        %parallel_loop3A_447 = tpu.vector_load %arg9[%parallel_loop3A_446] {strides = array<i32>} : memref<32000xf32, #tpu.memory_space<vmem>>, vector<16xf32>,
        %parallel_loop3A_448 = vector.shape_cast %parallel_loop3A_447 : vector<16xf32> to vector<16xf32>
        %parallel_loop3A_449 = math.exp %parallel_loop3A_448 : vector<16xf32>
        %parallel_loop3A_450 = arith.addf %parallel_loop3A_404, %parallel_loop3A_449 : vector<16xf32>
        %parallel_loop3A_451 = arith.addf %parallel_loop3A_405, %parallel_loop3A_448 : vector<16xf32>
        %parallel_loop3A_452 = arith.constant 80 : i32
        %parallel_loop3A_453 = arith.addi %parallel_loop3A_395, %parallel_loop3A_452 : i32
        %parallel_loop3A_454 = arith.index_cast %parallel_loop3A_453 : i32 to index
        %parallel_loop3A_455 = tpu.vector_load %arg9[%parallel_loop3A_454] {strides = array<i32>} : memref<32000xf32, #tpu.memory_space<vmem>>, vector<16xf32>,
        %parallel_loop3A_456 = vector.shape_cast %parallel_loop3A_455 : vector<16xf32> to vector<16xf32>
        %parallel_loop3A_457 = math.exp %parallel_loop3A_456 : vector<16xf32>
        %parallel_loop3A_458 = arith.addf %parallel_loop3A_406, %parallel_loop3A_457 : vector<16xf32>
        %parallel_loop3A_459 = arith.addf %parallel_loop3A_407, %parallel_loop3A_456 : vector<16xf32>
        %parallel_loop3A_460 = arith.constant 96 : i32
        %parallel_loop3A_461 = arith.addi %parallel_loop3A_395, %parallel_loop3A_460 : i32
        %parallel_loop3A_462 = arith.index_cast %parallel_loop3A_461 : i32 to index
        %parallel_loop3A_463 = tpu.vector_load %arg9[%parallel_loop3A_462] {strides = array<i32>} : memref<32000xf32, #tpu.memory_space<vmem>>, vector<16xf32>,
        %parallel_loop3A_464 = vector.shape_cast %parallel_loop3A_463 : vector<16xf32> to vector<16xf32>
        %parallel_loop3A_465 = math.exp %parallel_loop3A_464 : vector<16xf32>
        %parallel_loop3A_466 = arith.addf %parallel_loop3A_408, %parallel_loop3A_465 : vector<16xf32>
        %parallel_loop3A_467 = arith.addf %parallel_loop3A_409, %parallel_loop3A_464 : vector<16xf32>
        %parallel_loop3A_468 = arith.constant 112 : i32
        %parallel_loop3A_469 = arith.addi %parallel_loop3A_395, %parallel_loop3A_468 : i32
        %parallel_loop3A_470 = arith.index_cast %parallel_loop3A_469 : i32 to index
        %parallel_loop3A_471 = tpu.vector_load %arg9[%parallel_loop3A_470] {strides = array<i32>} : memref<32000xf32, #tpu.memory_space<vmem>>, vector<16xf32>,
        %parallel_loop3A_472 = vector.shape_cast %parallel_loop3A_471 : vector<16xf32> to vector<16xf32>
        %parallel_loop3A_473 = math.exp %parallel_loop3A_472 : vector<16xf32>
        %parallel_loop3A_474 = arith.addf %parallel_loop3A_410, %parallel_loop3A_473 : vector<16xf32>
        %parallel_loop3A_475 = arith.addf %parallel_loop3A_411, %parallel_loop3A_472 : vector<16xf32>
        scf.yield %parallel_loop3A_418, %parallel_loop3A_419, %parallel_loop3A_426, %parallel_loop3A_427, %parallel_loop3A_434, %parallel_loop3A_435, %parallel_loop3A_442, %parallel_loop3A_443, %parallel_loop3A_450, %parallel_loop3A_451, %parallel_loop3A_458, %parallel_loop3A_459, %parallel_loop3A_466, %parallel_loop3A_467, %parallel_loop3A_474, %parallel_loop3A_475 : vector<16xf32>, vector<16xf32>, vector<16xf32>, vector<16xf32>, vector<16xf32>, vector<16xf32>, vector<16xf32>, vector<16xf32>, vector<16xf32>, vector<16xf32>, vector<16xf32>, vector<16xf32>, vector<16xf32>, vector<16xf32>, vector<16xf32>, vector<16xf32>
      } {sc.loop_unroll_factor = 1 : i64, sc.parallel_access}
      %add3A_336 = arith.addf %broadcast_in_dim3A_35, %parallel_loop3A_335#0 : vector<16xf32>
      %add3A_337 = arith.addf %broadcast_in_dim3A_35, %parallel_loop3A_335#1 : vector<16xf32>
      %add3A_338 = arith.addf %add3A_336, %parallel_loop3A_335#2 : vector<16xf32>
      %add3A_339 = arith.addf %add3A_337, %parallel_loop3A_335#3 : vector<16xf32>
      %add3A_340 = arith.addf %add3A_338, %parallel_loop3A_335#4 : vector<16xf32>
      %add3A_341 = arith.addf %add3A_339, %parallel_loop3A_335#5 : vector<16xf32>
      %add3A_342 = arith.addf %add3A_340, %parallel_loop3A_335#6 : vector<16xf32>
      %add3A_343 = arith.addf %add3A_341, %parallel_loop3A_335#7 : vector<16xf32>
      %add3A_344 = arith.addf %add3A_342, %parallel_loop3A_335#8 : vector<16xf32>
      %add3A_345 = arith.addf %add3A_343, %parallel_loop3A_335#9 : vector<16xf32>
      %add3A_346 = arith.addf %add3A_344, %parallel_loop3A_335#10 : vector<16xf32>
      %add3A_347 = arith.addf %add3A_345, %parallel_loop3A_335#11 : vector<16xf32>
      %add3A_348 = arith.addf %add3A_346, %parallel_loop3A_335#12 : vector<16xf32>
      %add3A_349 = arith.addf %add3A_347, %parallel_loop3A_335#13 : vector<16xf32>
      %add3A_350 = arith.addf %add3A_348, %parallel_loop3A_335#14 : vector<16xf32>
      %add3A_351 = arith.addf %add3A_349, %parallel_loop3A_335#15 : vector<16xf32>
      %mul3A_352 = arith.constant 16 : i32
      %mul3A_353 = arith.muli %select_n3A_331, %mul3A_352 : i32
      %get3A_354 = arith.index_cast %mul3A_353 : i32 to index
      %get3A_355 = tpu.vector_load %arg9[%get3A_354] {strides = array<i32>} : memref<32000xf32, #tpu.memory_space<vmem>>, vector<16xf32>,
      %get3A_356 = vector.shape_cast %get3A_355 : vector<16xf32> to vector<16xf32>
      %mul3A_357 = arith.constant 16 : i32
      %mul3A_358 = arith.muli %select_n3A_331, %mul3A_357 : i32
      %sub3A_359 = arith.subi %squeeze3A_307, %mul3A_358 : i32
      %eq3A_360 = vector.broadcast %sub3A_359 : i32 to vector<16xi32>
      %eq3A_361 = arith.cmpi eq, %iota3A, %eq3A_360 : vector<16xi32>
      %jit3A_362 = arith.constant 0.000000e+00 : f32
      %broadcast_in_dim3A_363 = vector.broadcast %jit3A_362 : f32 to vector<16xf32>
      %select_n3A_364 = arith.select %eq3A_361, %get3A_356, %broadcast_in_dim3A_363 : vector<16xi1>, vector<16xf32>
      %get3A_365 = arith.constant 0 : index
      %get3A_366 = tpu.vector_load %arg9[%get3A_365] {strides = array<i32>} : memref<32000xf32, #tpu.memory_space<vmem>>, vector<16xf32>,
      %get3A_367 = vector.shape_cast %get3A_366 : vector<16xf32> to vector<16xf32>
      %add3A_368 = arith.constant 2 : i32
      %add3A_369 = arith.addi %add3A_242, %add3A_368 : i32
      %lt3A_370 = arith.constant 38 : i32
      %lt3A_371 = arith.cmpi slt, %add3A_369, %lt3A_370 : i32
      %convert_element_type3A_372 = arith.extui %lt3A_371 : i1 to i32
      %cond3A_373 = arith.constant 0 : i32
      %cond3A_374 = arith.cmpi ne, %convert_element_type3A_372, %cond3A_373 : i32
      scf.if %cond3A_374 {
        %add3A_395 = arith.addi %mul3A_2, %add3A_242 : i32
        %add3A_396 = arith.constant 2 : i32
        %add3A_397 = arith.addi %add3A_395, %add3A_396 : i32
        %dma_start3A_398 = arith.constant 0 : i32
        %dma_start3A_399 = tpu.memref_slice %arg2[%add3A_397, %dma_start3A_398] : memref<2048x32000xf32, #tpu.memory_space<hbm>> -> memref<1x32000xf32, #tpu.memory_space<hbm>>
        %dma_start3A_400 = tpu.memref_squeeze %dma_start3A_399 : memref<1x32000xf32, #tpu.memory_space<hbm>> -> memref<32000xf32, #tpu.memory_space<hbm>>
        %dma_start3A_401 = arith.constant 0 : i32
        %dma_start3A_402 = tpu.memref_slice %arg2[%add3A_397, %dma_start3A_401] : memref<2048x32000xf32, #tpu.memory_space<hbm>> -> memref<1x32000xf32, #tpu.memory_space<hbm>>
        %dma_start3A_403 = tpu.memref_squeeze %dma_start3A_402 : memref<1x32000xf32, #tpu.memory_space<hbm>> -> memref<32000xf32, #tpu.memory_space<hbm>>
        tpu.enqueue_dma source(%dma_start3A_403 : memref<32000xf32, #tpu.memory_space<hbm>>) target(%arg9 : memref<32000xf32, #tpu.memory_space<vmem>>) target_semaphore(%arg17 : memref<!tpu.dma_semaphore, #tpu.memory_space<semaphore_mem>>)
      } else {
      }
      %swap3A_375 = arith.index_cast %add3A_242 : i32 to index
      %swap3A_376 = arith.constant 0 : index
      %swap3A_377 = tpu.vector_load %arg12[%swap3A_375, %swap3A_376] {strides = array<i32>} : memref<40x16xf32, #tpu.memory_space<vmem>>, vector<1x16xf32>,
      %swap3A_378 = vector.shape_cast %swap3A_377 : vector<1x16xf32> to vector<16xf32>
      %swap3A_379 = vector.shape_cast %add3A_350 : vector<16xf32> to vector<1x16xf32>
      tpu.vector_store %arg12[%swap3A_375, %swap3A_376], %swap3A_379 {strides = array<i32>} : memref<40x16xf32, #tpu.memory_space<vmem>>, vector<1x16xf32>,
      %swap3A_380 = arith.index_cast %add3A_242 : i32 to index
      %swap3A_381 = arith.constant 0 : index
      %swap3A_382 = tpu.vector_load %arg13[%swap3A_380, %swap3A_381] {strides = array<i32>} : memref<40x16xf32, #tpu.memory_space<vmem>>, vector<1x16xf32>,
      %swap3A_383 = vector.shape_cast %swap3A_382 : vector<1x16xf32> to vector<16xf32>
      %swap3A_384 = vector.shape_cast %add3A_351 : vector<16xf32> to vector<1x16xf32>
      tpu.vector_store %arg13[%swap3A_380, %swap3A_381], %swap3A_384 {strides = array<i32>} : memref<40x16xf32, #tpu.memory_space<vmem>>, vector<1x16xf32>,
      %swap3A_385 = arith.index_cast %add3A_242 : i32 to index
      %swap3A_386 = arith.constant 0 : index
      %swap3A_387 = tpu.vector_load %arg14[%swap3A_385, %swap3A_386] {strides = array<i32>} : memref<40x16xf32, #tpu.memory_space<vmem>>, vector<1x16xf32>,
      %swap3A_388 = vector.shape_cast %swap3A_387 : vector<1x16xf32> to vector<16xf32>
      %swap3A_389 = vector.shape_cast %select_n3A_364 : vector<16xf32> to vector<1x16xf32>
      tpu.vector_store %arg14[%swap3A_385, %swap3A_386], %swap3A_389 {strides = array<i32>} : memref<40x16xf32, #tpu.memory_space<vmem>>, vector<1x16xf32>,
      %swap3A_390 = arith.index_cast %add3A_242 : i32 to index
      %swap3A_391 = arith.constant 0 : index
      %swap3A_392 = tpu.vector_load %arg15[%swap3A_390, %swap3A_391] {strides = array<i32>} : memref<40x16xf32, #tpu.memory_space<vmem>>, vector<1x16xf32>,
      %swap3A_393 = vector.shape_cast %swap3A_392 : vector<1x16xf32> to vector<16xf32>
      %swap3A_394 = vector.shape_cast %get3A_367 : vector<16xf32> to vector<1x16xf32>
      tpu.vector_store %arg15[%swap3A_390, %swap3A_391], %swap3A_394 {strides = array<i32>} : memref<40x16xf32, #tpu.memory_space<vmem>>, vector<1x16xf32>,
    }
    %scan3A_40 = arith.constant 19 : i32
    %broadcast_in_dim3A_41 = arith.constant 1.000000e+00 : f32
    %broadcast_in_dim3A_42 = vector.broadcast %broadcast_in_dim3A_41 : f32 to vector<16xf32>
    %swap3A = arith.constant 38 : i32
    %swap3A_43 = arith.index_cast %swap3A : i32 to index
    %swap3A_44 = arith.constant 0 : index
    %swap3A_45 = tpu.vector_load %arg12[%swap3A_43, %swap3A_44] {strides = array<i32>} : memref<40x16xf32, #tpu.memory_space<vmem>>, vector<1x16xf32>,
    %swap3A_46 = vector.shape_cast %swap3A_45 : vector<1x16xf32> to vector<16xf32>
    %swap3A_47 = vector.shape_cast %broadcast_in_dim3A_42 : vector<16xf32> to vector<1x16xf32>
    tpu.vector_store %arg12[%swap3A_43, %swap3A_44], %swap3A_47 {strides = array<i32>} : memref<40x16xf32, #tpu.memory_space<vmem>>, vector<1x16xf32>,
    %swap3A_48 = arith.constant 38 : i32
    %swap3A_49 = arith.index_cast %swap3A_48 : i32 to index
    %swap3A_50 = arith.constant 0 : index
    %swap3A_51 = tpu.vector_load %arg13[%swap3A_49, %swap3A_50] {strides = array<i32>} : memref<40x16xf32, #tpu.memory_space<vmem>>, vector<1x16xf32>,
    %swap3A_52 = vector.shape_cast %swap3A_51 : vector<1x16xf32> to vector<16xf32>
    %swap3A_53 = vector.shape_cast %broadcast_in_dim3A_35 : vector<16xf32> to vector<1x16xf32>
    tpu.vector_store %arg13[%swap3A_49, %swap3A_50], %swap3A_53 {strides = array<i32>} : memref<40x16xf32, #tpu.memory_space<vmem>>, vector<1x16xf32>,
    %swap3A_54 = arith.constant 38 : i32
    %swap3A_55 = arith.index_cast %swap3A_54 : i32 to index
    %swap3A_56 = arith.constant 0 : index
    %swap3A_57 = tpu.vector_load %arg14[%swap3A_55, %swap3A_56] {strides = array<i32>} : memref<40x16xf32, #tpu.memory_space<vmem>>, vector<1x16xf32>,
    %swap3A_58 = vector.shape_cast %swap3A_57 : vector<1x16xf32> to vector<16xf32>
    %swap3A_59 = vector.shape_cast %broadcast_in_dim3A_35 : vector<16xf32> to vector<1x16xf32>
    tpu.vector_store %arg14[%swap3A_55, %swap3A_56], %swap3A_59 {strides = array<i32>} : memref<40x16xf32, #tpu.memory_space<vmem>>, vector<1x16xf32>,
    %swap3A_60 = arith.constant 38 : i32
    %swap3A_61 = arith.index_cast %swap3A_60 : i32 to index
    %swap3A_62 = arith.constant 0 : index
    %swap3A_63 = tpu.vector_load %arg15[%swap3A_61, %swap3A_62] {strides = array<i32>} : memref<40x16xf32, #tpu.memory_space<vmem>>, vector<1x16xf32>,
    %swap3A_64 = vector.shape_cast %swap3A_63 : vector<1x16xf32> to vector<16xf32>
    %swap3A_65 = vector.shape_cast %broadcast_in_dim3A_35 : vector<16xf32> to vector<1x16xf32>
    tpu.vector_store %arg15[%swap3A_61, %swap3A_62], %swap3A_65 {strides = array<i32>} : memref<40x16xf32, #tpu.memory_space<vmem>>, vector<1x16xf32>,
    %broadcast_in_dim3A_66 = arith.constant 1.000000e+00 : f32
    %broadcast_in_dim3A_67 = vector.broadcast %broadcast_in_dim3A_66 : f32 to vector<16xf32>
    %swap3A_68 = arith.constant 39 : i32
    %swap3A_69 = arith.index_cast %swap3A_68 : i32 to index
    %swap3A_70 = arith.constant 0 : index
    %swap3A_71 = tpu.vector_load %arg12[%swap3A_69, %swap3A_70] {strides = array<i32>} : memref<40x16xf32, #tpu.memory_space<vmem>>, vector<1x16xf32>,
    %swap3A_72 = vector.shape_cast %swap3A_71 : vector<1x16xf32> to vector<16xf32>
    %swap3A_73 = vector.shape_cast %broadcast_in_dim3A_67 : vector<16xf32> to vector<1x16xf32>
    tpu.vector_store %arg12[%swap3A_69, %swap3A_70], %swap3A_73 {strides = array<i32>} : memref<40x16xf32, #tpu.memory_space<vmem>>, vector<1x16xf32>,
    %swap3A_74 = arith.constant 39 : i32
    %swap3A_75 = arith.index_cast %swap3A_74 : i32 to index
    %swap3A_76 = arith.constant 0 : index
    %swap3A_77 = tpu.vector_load %arg13[%swap3A_75, %swap3A_76] {strides = array<i32>} : memref<40x16xf32, #tpu.memory_space<vmem>>, vector<1x16xf32>,
    %swap3A_78 = vector.shape_cast %swap3A_77 : vector<1x16xf32> to vector<16xf32>
    %swap3A_79 = vector.shape_cast %broadcast_in_dim3A_35 : vector<16xf32> to vector<1x16xf32>
    tpu.vector_store %arg13[%swap3A_75, %swap3A_76], %swap3A_79 {strides = array<i32>} : memref<40x16xf32, #tpu.memory_space<vmem>>, vector<1x16xf32>,
    %swap3A_80 = arith.constant 39 : i32
    %swap3A_81 = arith.index_cast %swap3A_80 : i32 to index
    %swap3A_82 = arith.constant 0 : index
    %swap3A_83 = tpu.vector_load %arg14[%swap3A_81, %swap3A_82] {strides = array<i32>} : memref<40x16xf32, #tpu.memory_space<vmem>>, vector<1x16xf32>,
    %swap3A_84 = vector.shape_cast %swap3A_83 : vector<1x16xf32> to vector<16xf32>
    %swap3A_85 = vector.shape_cast %broadcast_in_dim3A_35 : vector<16xf32> to vector<1x16xf32>
    tpu.vector_store %arg14[%swap3A_81, %swap3A_82], %swap3A_85 {strides = array<i32>} : memref<40x16xf32, #tpu.memory_space<vmem>>, vector<1x16xf32>,
    %swap3A_86 = arith.constant 39 : i32
    %swap3A_87 = arith.index_cast %swap3A_86 : i32 to index
    %swap3A_88 = arith.constant 0 : index
    %swap3A_89 = tpu.vector_load %arg15[%swap3A_87, %swap3A_88] {strides = array<i32>} : memref<40x16xf32, #tpu.memory_space<vmem>>, vector<1x16xf32>,
    %swap3A_90 = vector.shape_cast %swap3A_89 : vector<1x16xf32> to vector<16xf32>
    %swap3A_91 = vector.shape_cast %broadcast_in_dim3A_35 : vector<16xf32> to vector<1x16xf32>
    tpu.vector_store %arg15[%swap3A_87, %swap3A_88], %swap3A_91 {strides = array<i32>} : memref<40x16xf32, #tpu.memory_space<vmem>>, vector<1x16xf32>,
    %mul3A_92 = arith.constant 40 : i32
    %mul3A_93 = arith.muli %add3A, %mul3A_92 : i32
    "tpu.region"() ({
      %run_scoped3A = tpu.sem_alloc : memref<!tpu.dma_semaphore, #tpu.memory_space<semaphore_mem>>
      %dma_start3A_94 = arith.constant 0 : i32
      %dma_start3A_95 = tpu.memref_slice %arg4[%mul3A_93, %dma_start3A_94] : memref<1280x16xf32, #tpu.memory_space<hbm>> -> memref<40x16xf32, #tpu.memory_space<hbm>>
      %dma_start3A_96 = arith.constant 0 : i32
      %dma_start3A_97 = tpu.memref_slice %arg4[%mul3A_93, %dma_start3A_96] : memref<1280x16xf32, #tpu.memory_space<hbm>> -> memref<40x16xf32, #tpu.memory_space<hbm>>
      tpu.enqueue_dma source(%arg12 : memref<40x16xf32, #tpu.memory_space<vmem>>) target(%dma_start3A_97 : memref<40x16xf32, #tpu.memory_space<hbm>>) target_semaphore(%run_scoped3A : memref<!tpu.dma_semaphore, #tpu.memory_space<semaphore_mem>>)
      %dma_wait3A = arith.constant 0 : i32
      %dma_wait3A_98 = tpu.memref_slice %arg4[%mul3A_93, %dma_wait3A] : memref<1280x16xf32, #tpu.memory_space<hbm>> -> memref<40x16xf32, #tpu.memory_space<hbm>>
      %dma_wait3A_99 = arith.constant 0 : i32
      %dma_wait3A_100 = tpu.memref_slice %arg4[%mul3A_93, %dma_wait3A_99] : memref<1280x16xf32, #tpu.memory_space<hbm>> -> memref<40x16xf32, #tpu.memory_space<hbm>>
      tpu.wait_dma2 semaphore(%run_scoped3A : memref<!tpu.dma_semaphore, #tpu.memory_space<semaphore_mem>>) src(%arg12 : memref<40x16xf32, #tpu.memory_space<vmem>>) dst(%dma_wait3A_100 : memref<40x16xf32, #tpu.memory_space<hbm>>)
      tpu.yield
    }) : () -> ()
    "tpu.region"() ({
      %run_scoped3A = tpu.sem_alloc : memref<!tpu.dma_semaphore, #tpu.memory_space<semaphore_mem>>
      %dma_start3A_94 = arith.constant 0 : i32
      %dma_start3A_95 = tpu.memref_slice %arg5[%mul3A_93, %dma_start3A_94] : memref<1280x16xf32, #tpu.memory_space<hbm>> -> memref<40x16xf32, #tpu.memory_space<hbm>>
      %dma_start3A_96 = arith.constant 0 : i32
      %dma_start3A_97 = tpu.memref_slice %arg5[%mul3A_93, %dma_start3A_96] : memref<1280x16xf32, #tpu.memory_space<hbm>> -> memref<40x16xf32, #tpu.memory_space<hbm>>
      tpu.enqueue_dma source(%arg13 : memref<40x16xf32, #tpu.memory_space<vmem>>) target(%dma_start3A_97 : memref<40x16xf32, #tpu.memory_space<hbm>>) target_semaphore(%run_scoped3A : memref<!tpu.dma_semaphore, #tpu.memory_space<semaphore_mem>>)
      %dma_wait3A = arith.constant 0 : i32
      %dma_wait3A_98 = tpu.memref_slice %arg5[%mul3A_93, %dma_wait3A] : memref<1280x16xf32, #tpu.memory_space<hbm>> -> memref<40x16xf32, #tpu.memory_space<hbm>>
      %dma_wait3A_99 = arith.constant 0 : i32
      %dma_wait3A_100 = tpu.memref_slice %arg5[%mul3A_93, %dma_wait3A_99] : memref<1280x16xf32, #tpu.memory_space<hbm>> -> memref<40x16xf32, #tpu.memory_space<hbm>>
      tpu.wait_dma2 semaphore(%run_scoped3A : memref<!tpu.dma_semaphore, #tpu.memory_space<semaphore_mem>>) src(%arg13 : memref<40x16xf32, #tpu.memory_space<vmem>>) dst(%dma_wait3A_100 : memref<40x16xf32, #tpu.memory_space<hbm>>)
      tpu.yield
    }) : () -> ()
    "tpu.region"() ({
      %run_scoped3A = tpu.sem_alloc : memref<!tpu.dma_semaphore, #tpu.memory_space<semaphore_mem>>
      %dma_start3A_94 = arith.constant 0 : i32
      %dma_start3A_95 = tpu.memref_slice %arg6[%mul3A_93, %dma_start3A_94] : memref<1280x16xf32, #tpu.memory_space<hbm>> -> memref<40x16xf32, #tpu.memory_space<hbm>>
      %dma_start3A_96 = arith.constant 0 : i32
      %dma_start3A_97 = tpu.memref_slice %arg6[%mul3A_93, %dma_start3A_96] : memref<1280x16xf32, #tpu.memory_space<hbm>> -> memref<40x16xf32, #tpu.memory_space<hbm>>
      tpu.enqueue_dma source(%arg14 : memref<40x16xf32, #tpu.memory_space<vmem>>) target(%dma_start3A_97 : memref<40x16xf32, #tpu.memory_space<hbm>>) target_semaphore(%run_scoped3A : memref<!tpu.dma_semaphore, #tpu.memory_space<semaphore_mem>>)
      %dma_wait3A = arith.constant 0 : i32
      %dma_wait3A_98 = tpu.memref_slice %arg6[%mul3A_93, %dma_wait3A] : memref<1280x16xf32, #tpu.memory_space<hbm>> -> memref<40x16xf32, #tpu.memory_space<hbm>>
      %dma_wait3A_99 = arith.constant 0 : i32
      %dma_wait3A_100 = tpu.memref_slice %arg6[%mul3A_93, %dma_wait3A_99] : memref<1280x16xf32, #tpu.memory_space<hbm>> -> memref<40x16xf32, #tpu.memory_space<hbm>>
      tpu.wait_dma2 semaphore(%run_scoped3A : memref<!tpu.dma_semaphore, #tpu.memory_space<semaphore_mem>>) src(%arg14 : memref<40x16xf32, #tpu.memory_space<vmem>>) dst(%dma_wait3A_100 : memref<40x16xf32, #tpu.memory_space<hbm>>)
      tpu.yield
    }) : () -> ()
    "tpu.region"() ({
      %run_scoped3A = tpu.sem_alloc : memref<!tpu.dma_semaphore, #tpu.memory_space<semaphore_mem>>
      %dma_start3A_94 = arith.constant 0 : i32
      %dma_start3A_95 = tpu.memref_slice %arg7[%mul3A_93, %dma_start3A_94] : memref<1280x16xf32, #tpu.memory_space<hbm>> -> memref<40x16xf32, #tpu.memory_space<hbm>>
      %dma_start3A_96 = arith.constant 0 : i32
      %dma_start3A_97 = tpu.memref_slice %arg7[%mul3A_93, %dma_start3A_96] : memref<1280x16xf32, #tpu.memory_space<hbm>> -> memref<40x16xf32, #tpu.memory_space<hbm>>
      tpu.enqueue_dma source(%arg15 : memref<40x16xf32, #tpu.memory_space<vmem>>) target(%dma_start3A_97 : memref<40x16xf32, #tpu.memory_space<hbm>>) target_semaphore(%run_scoped3A : memref<!tpu.dma_semaphore, #tpu.memory_space<semaphore_mem>>)
      %dma_wait3A = arith.constant 0 : i32
      %dma_wait3A_98 = tpu.memref_slice %arg7[%mul3A_93, %dma_wait3A] : memref<1280x16xf32, #tpu.memory_space<hbm>> -> memref<40x16xf32, #tpu.memory_space<hbm>>
      %dma_wait3A_99 = arith.constant 0 : i32
      %dma_wait3A_100 = tpu.memref_slice %arg7[%mul3A_93, %dma_wait3A_99] : memref<1280x16xf32, #tpu.memory_space<hbm>> -> memref<40x16xf32, #tpu.memory_space<hbm>>
      tpu.wait_dma2 semaphore(%run_scoped3A : memref<!tpu.dma_semaphore, #tpu.memory_space<semaphore_mem>>) src(%arg15 : memref<40x16xf32, #tpu.memory_space<vmem>>) dst(%dma_wait3A_100 : memref<40x16xf32, #tpu.memory_space<hbm>>)
      tpu.yield
    }) : () -> ()
    return
  }
}

module attributes {stable_mosaic.version = 14 : i64} {
  func.func @_tc_finalize(%arg0: memref<1280x16xf32, #tpu.memory_space<vmem>>, %arg1: memref<1280x16xf32, #tpu.memory_space<vmem>>, %arg2: memref<1280x16xf32, #tpu.memory_space<vmem>>, %arg3: memref<1280x16xf32, #tpu.memory_space<vmem>>, %arg4: memref<1280x1xi32, #tpu.memory_space<vmem>>, %arg5: memref<832x1xf32, #tpu.memory_space<vmem>>, %arg6: memref<832x1xf32, #tpu.memory_space<vmem>>, %arg7: memref<832x1xf32, #tpu.memory_space<vmem>>, %arg8: memref<832x1xf32, #tpu.memory_space<vmem>>, %arg9: memref<2048x1xi32, #tpu.memory_space<vmem>>, %arg10: memref<1x1xf32, #tpu.memory_space<vmem>>) attributes {dimension_semantics = [], scalar_prefetch = 0 : i64, scratch_operands = 0 : i64, tpu.core_type = #tpu.core_type<tc>} {
    %get3A = arith.constant 0 : index
    %get3A_0 = arith.constant 0 : index
    %get3A_1 = vector.load %arg0[%get3A, %get3A_0] : memref<1280x16xf32, #tpu.memory_space<vmem>>, vector<1280x16xf32>
    %reduce_sum3A = arith.constant dense<0.000000e+00> : vector<1280xf32>
    %reduce_sum3A_2 = vector.multi_reduction <add>, %get3A_1, %reduce_sum3A [1] : vector<1280x16xf32> to vector<1280xf32>
    %broadcast_in_dim3A = vector.shape_cast %reduce_sum3A_2 : vector<1280xf32> to vector<1280x1xf32>
    %get3A_3 = arith.constant 0 : index
    %get3A_4 = arith.constant 0 : index
    %get3A_5 = vector.load %arg1[%get3A_3, %get3A_4] : memref<1280x16xf32, #tpu.memory_space<vmem>>, vector<1280x16xf32>
    %reduce_sum3A_6 = arith.constant dense<0.000000e+00> : vector<1280xf32>
    %reduce_sum3A_7 = vector.multi_reduction <add>, %get3A_5, %reduce_sum3A_6 [1] : vector<1280x16xf32> to vector<1280xf32>
    %broadcast_in_dim3A_8 = vector.shape_cast %reduce_sum3A_7 : vector<1280xf32> to vector<1280x1xf32>
    %get3A_9 = arith.constant 0 : index
    %get3A_10 = arith.constant 0 : index
    %get3A_11 = vector.load %arg2[%get3A_9, %get3A_10] : memref<1280x16xf32, #tpu.memory_space<vmem>>, vector<1280x16xf32>
    %reduce_sum3A_12 = arith.constant dense<0.000000e+00> : vector<1280xf32>
    %reduce_sum3A_13 = vector.multi_reduction <add>, %get3A_11, %reduce_sum3A_12 [1] : vector<1280x16xf32> to vector<1280xf32>
    %broadcast_in_dim3A_14 = vector.shape_cast %reduce_sum3A_13 : vector<1280xf32> to vector<1280x1xf32>
    %get3A_15 = arith.constant 0 : index
    %get3A_16 = arith.constant 0 : index
    %get3A_17 = vector.load %arg3[%get3A_15, %get3A_16] : memref<1280x16xf32, #tpu.memory_space<vmem>>, vector<1280x16xf32>
    %slice3A = vector.extract_strided_slice %get3A_17 {offsets = [0, 0], sizes = [1280, 1], strides = [1, 1]} : vector<1280x16xf32> to vector<1280x1xf32>
    %get3A_18 = arith.constant 0 : index
    %get3A_19 = arith.constant 0 : index
    %get3A_20 = vector.load %arg4[%get3A_18, %get3A_19] : memref<1280x1xi32, #tpu.memory_space<vmem>>, vector<1280x1xi32>
    %log3A = math.log %broadcast_in_dim3A : vector<1280x1xf32>
    %sub3A = arith.subf %log3A, %broadcast_in_dim3A_14 : vector<1280x1xf32>
    %mul3A = arith.constant 0.899999976 : f32
    %mul3A_21 = vector.broadcast %mul3A : f32 to vector<1280x1xf32>
    %mul3A_22 = arith.mulf %mul3A_21, %sub3A : vector<1280x1xf32>
    %mul3A_23 = arith.constant 3.200000e+04 : f32
    %mul3A_24 = vector.broadcast %mul3A_23 : f32 to vector<1280x1xf32>
    %mul3A_25 = arith.mulf %mul3A_24, %log3A : vector<1280x1xf32>
    %sub3A_26 = arith.subf %mul3A_25, %broadcast_in_dim3A_8 : vector<1280x1xf32>
    %sub3A_27 = arith.subf %log3A, %slice3A : vector<1280x1xf32>
    %sub3A_28 = arith.subf %sub3A_26, %sub3A_27 : vector<1280x1xf32>
    %sub3A_29 = arith.subf %log3A, %broadcast_in_dim3A_14 : vector<1280x1xf32>
    %sub3A_30 = arith.subf %sub3A_28, %sub3A_29 : vector<1280x1xf32>
    %mul3A_31 = arith.constant 3.12519524E-6 : f32
    %mul3A_32 = vector.broadcast %mul3A_31 : f32 to vector<1280x1xf32>
    %mul3A_33 = arith.mulf %mul3A_32, %sub3A_30 : vector<1280x1xf32>
    %add3A = arith.addf %mul3A_22, %mul3A_33 : vector<1280x1xf32>
    %eq3A = arith.constant 0 : i32
    %eq3A_34 = vector.broadcast %eq3A : i32 to vector<1280x1xi32>
    %eq3A_35 = arith.cmpi eq, %get3A_20, %eq3A_34 : vector<1280x1xi32>
    %jit3A = arith.constant 0.000000e+00 : f32
    %broadcast_in_dim3A_36 = vector.broadcast %jit3A : f32 to vector<1280x1xf32>
    %select_n3A = arith.select %eq3A_35, %broadcast_in_dim3A_36, %add3A : vector<1280x1xi1>, vector<1280x1xf32>
    %get3A_37 = arith.constant 0 : index
    %get3A_38 = arith.constant 0 : index
    %get3A_39 = vector.load %arg5[%get3A_37, %get3A_38] : memref<832x1xf32, #tpu.memory_space<vmem>>, vector<832x1xf32>
    %get3A_40 = arith.constant 0 : index
    %get3A_41 = arith.constant 0 : index
    %get3A_42 = vector.load %arg6[%get3A_40, %get3A_41] : memref<832x1xf32, #tpu.memory_space<vmem>>, vector<832x1xf32>
    %get3A_43 = arith.constant 0 : index
    %get3A_44 = arith.constant 0 : index
    %get3A_45 = vector.load %arg7[%get3A_43, %get3A_44] : memref<832x1xf32, #tpu.memory_space<vmem>>, vector<832x1xf32>
    %get3A_46 = arith.constant 0 : index
    %get3A_47 = arith.constant 0 : index
    %get3A_48 = vector.load %arg8[%get3A_46, %get3A_47] : memref<832x1xf32, #tpu.memory_space<vmem>>, vector<832x1xf32>
    %get3A_49 = arith.constant 0 : index
    %get3A_50 = arith.constant 0 : index
    %get3A_51 = vector.load %arg9[%get3A_49, %get3A_50] : memref<2048x1xi32, #tpu.memory_space<vmem>>, vector<2048x1xi32>
    %slice3A_52 = vector.extract_strided_slice %get3A_51 {offsets = [1216, 0], sizes = [832, 1], strides = [1, 1]} : vector<2048x1xi32> to vector<832x1xi32>
    %log3A_53 = math.log %get3A_39 : vector<832x1xf32>
    %sub3A_54 = arith.subf %log3A_53, %get3A_45 : vector<832x1xf32>
    %mul3A_55 = arith.constant 0.899999976 : f32
    %mul3A_56 = vector.broadcast %mul3A_55 : f32 to vector<832x1xf32>
    %mul3A_57 = arith.mulf %mul3A_56, %sub3A_54 : vector<832x1xf32>
    %mul3A_58 = arith.constant 3.200000e+04 : f32
    %mul3A_59 = vector.broadcast %mul3A_58 : f32 to vector<832x1xf32>
    %mul3A_60 = arith.mulf %mul3A_59, %log3A_53 : vector<832x1xf32>
    %sub3A_61 = arith.subf %mul3A_60, %get3A_42 : vector<832x1xf32>
    %sub3A_62 = arith.subf %log3A_53, %get3A_48 : vector<832x1xf32>
    %sub3A_63 = arith.subf %sub3A_61, %sub3A_62 : vector<832x1xf32>
    %sub3A_64 = arith.subf %log3A_53, %get3A_45 : vector<832x1xf32>
    %sub3A_65 = arith.subf %sub3A_63, %sub3A_64 : vector<832x1xf32>
    %mul3A_66 = arith.constant 3.12519524E-6 : f32
    %mul3A_67 = vector.broadcast %mul3A_66 : f32 to vector<832x1xf32>
    %mul3A_68 = arith.mulf %mul3A_67, %sub3A_65 : vector<832x1xf32>
    %add3A_69 = arith.addf %mul3A_57, %mul3A_68 : vector<832x1xf32>
    %eq3A_70 = arith.constant 0 : i32
    %eq3A_71 = vector.broadcast %eq3A_70 : i32 to vector<832x1xi32>
    %eq3A_72 = arith.cmpi eq, %slice3A_52, %eq3A_71 : vector<832x1xi32>
    %jit3A_73 = arith.constant 0.000000e+00 : f32
    %broadcast_in_dim3A_74 = vector.broadcast %jit3A_73 : f32 to vector<832x1xf32>
    %select_n3A_75 = arith.select %eq3A_72, %broadcast_in_dim3A_74, %add3A_69 : vector<832x1xi1>, vector<832x1xf32>
    %reduce_sum3A_76 = vector.shape_cast %select_n3A : vector<1280x1xf32> to vector<1x1280x1xf32>
    %reduce_sum3A_77 = arith.constant dense<0.000000e+00> : vector<1xf32>
    %reduce_sum3A_78 = vector.multi_reduction <add>, %reduce_sum3A_76, %reduce_sum3A_77 [1, 2] : vector<1x1280x1xf32> to vector<1xf32>
    %reduce_sum3A_79 = vector.shape_cast %reduce_sum3A_78 : vector<1xf32> to vector<1x1x1xf32>
    %reduce_sum3A_80 = vector.extract %reduce_sum3A_79[0, 0, 0] : f32 from vector<1x1x1xf32>
    %broadcast_in_dim3A_81 = vector.broadcast %reduce_sum3A_80 : f32 to vector<1x1xf32>
    %reduce_sum3A_82 = vector.shape_cast %select_n3A_75 : vector<832x1xf32> to vector<1x832x1xf32>
    %reduce_sum3A_83 = arith.constant dense<0.000000e+00> : vector<1xf32>
    %reduce_sum3A_84 = vector.multi_reduction <add>, %reduce_sum3A_82, %reduce_sum3A_83 [1, 2] : vector<1x832x1xf32> to vector<1xf32>
    %reduce_sum3A_85 = vector.shape_cast %reduce_sum3A_84 : vector<1xf32> to vector<1x1x1xf32>
    %reduce_sum3A_86 = vector.extract %reduce_sum3A_85[0, 0, 0] : f32 from vector<1x1x1xf32>
    %broadcast_in_dim3A_87 = vector.broadcast %reduce_sum3A_86 : f32 to vector<1x1xf32>
    %add3A_88 = arith.addf %broadcast_in_dim3A_81, %broadcast_in_dim3A_87 : vector<1x1xf32>
    %div3A = arith.constant 2.048000e+03 : f32
    %div3A_89 = vector.broadcast %div3A : f32 to vector<1x1xf32>
    %div3A_90 = arith.divf %add3A_88, %div3A_89 : vector<1x1xf32>
    %swap3A = arith.constant 0 : index
    %swap3A_91 = arith.constant 0 : index
    %swap3A_92 = vector.load %arg10[%swap3A, %swap3A_91] : memref<1x1xf32, #tpu.memory_space<vmem>>, vector<1x1xf32>
    tpu.vector_store %arg10[%swap3A, %swap3A_91], %div3A_90 {strides = array<i32>} : memref<1x1xf32, #tpu.memory_space<vmem>>, vector<1x1xf32>,
    return
  }
}

module attributes {stable_mosaic.version = 14 : i64} {
  func.func @_tc_stream(%arg0: i32, %arg1: i32, %arg2: memref<64x6400xf32, #tpu.memory_space<vmem>>, %arg3: memref<64x1xi32, #tpu.memory_space<vmem>>, %arg4: memref<64x1xf32, #tpu.memory_space<vmem>>, %arg5: memref<64x1xf32, #tpu.memory_space<vmem>>, %arg6: memref<64x1xf32, #tpu.memory_space<vmem>>, %arg7: memref<64x1xf32, #tpu.memory_space<vmem>>) attributes {dimension_semantics = [#tpu.dimension_semantics<arbitrary>, #tpu.dimension_semantics<arbitrary>], iteration_bounds = array<i64: 13, 5>, scalar_prefetch = 0 : i64, scratch_operands = 0 : i64, tpu.core_type = #tpu.core_type<tc>, window_params = [{transform_indices = @transform_0, window_bounds = array<i64: 64, 6400>}, {transform_indices = @transform_1, window_bounds = array<i64: 64, 1>}, {transform_indices = @transform_2, window_bounds = array<i64: 64, 1>}, {transform_indices = @transform_3, window_bounds = array<i64: 64, 1>}, {transform_indices = @transform_4, window_bounds = array<i64: 64, 1>}, {transform_indices = @transform_5, window_bounds = array<i64: 64, 1>}]} {
    %eq3A = arith.constant 0 : i32
    %eq3A_0 = arith.cmpi eq, %arg1, %eq3A : i32
    %convert_element_type3A = arith.extui %eq3A_0 : i1 to i32
    %cond3A = arith.constant 0 : i32
    %cond3A_1 = arith.cmpi ne, %convert_element_type3A, %cond3A : i32
    scf.if %cond3A_1 {
      %broadcast_in_dim3A_39 = arith.constant 0.000000e+00 : f32
      %broadcast_in_dim3A_40 = vector.broadcast %broadcast_in_dim3A_39 : f32 to vector<64x1xf32>
      %swap3A_41 = arith.constant 0 : index
      %swap3A_42 = arith.constant 0 : index
      %swap3A_43 = vector.load %arg4[%swap3A_41, %swap3A_42] : memref<64x1xf32, #tpu.memory_space<vmem>>, vector<64x1xf32>
      tpu.vector_store %arg4[%swap3A_41, %swap3A_42], %broadcast_in_dim3A_40 {strides = array<i32>} : memref<64x1xf32, #tpu.memory_space<vmem>>, vector<64x1xf32>,
      %broadcast_in_dim3A_44 = arith.constant 0.000000e+00 : f32
      %broadcast_in_dim3A_45 = vector.broadcast %broadcast_in_dim3A_44 : f32 to vector<64x1xf32>
      %swap3A_46 = arith.constant 0 : index
      %swap3A_47 = arith.constant 0 : index
      %swap3A_48 = vector.load %arg5[%swap3A_46, %swap3A_47] : memref<64x1xf32, #tpu.memory_space<vmem>>, vector<64x1xf32>
      tpu.vector_store %arg5[%swap3A_46, %swap3A_47], %broadcast_in_dim3A_45 {strides = array<i32>} : memref<64x1xf32, #tpu.memory_space<vmem>>, vector<64x1xf32>,
      %broadcast_in_dim3A_49 = arith.constant 0.000000e+00 : f32
      %broadcast_in_dim3A_50 = vector.broadcast %broadcast_in_dim3A_49 : f32 to vector<64x1xf32>
      %swap3A_51 = arith.constant 0 : index
      %swap3A_52 = arith.constant 0 : index
      %swap3A_53 = vector.load %arg6[%swap3A_51, %swap3A_52] : memref<64x1xf32, #tpu.memory_space<vmem>>, vector<64x1xf32>
      tpu.vector_store %arg6[%swap3A_51, %swap3A_52], %broadcast_in_dim3A_50 {strides = array<i32>} : memref<64x1xf32, #tpu.memory_space<vmem>>, vector<64x1xf32>,
      %get3A_54 = arith.constant 0 : index
      %get3A_55 = arith.constant 0 : index
      %get3A_56 = vector.load %arg2[%get3A_54, %get3A_55] : memref<64x6400xf32, #tpu.memory_space<vmem>>, vector<64x6400xf32>
      %slice3A = vector.extract_strided_slice %get3A_56 {offsets = [0, 0], sizes = [64, 1], strides = [1, 1]} : vector<64x6400xf32> to vector<64x1xf32>
      %swap3A_57 = arith.constant 0 : index
      %swap3A_58 = arith.constant 0 : index
      %swap3A_59 = vector.load %arg7[%swap3A_57, %swap3A_58] : memref<64x1xf32, #tpu.memory_space<vmem>>, vector<64x1xf32>
      tpu.vector_store %arg7[%swap3A_57, %swap3A_58], %slice3A {strides = array<i32>} : memref<64x1xf32, #tpu.memory_space<vmem>>, vector<64x1xf32>,
    } else {
    }
    %get3A = arith.constant 0 : index
    %get3A_2 = arith.constant 0 : index
    %get3A_3 = vector.load %arg2[%get3A, %get3A_2] : memref<64x6400xf32, #tpu.memory_space<vmem>>, vector<64x6400xf32>
    %get3A_4 = arith.constant 0 : index
    %get3A_5 = arith.constant 0 : index
    %get3A_6 = vector.load %arg4[%get3A_4, %get3A_5] : memref<64x1xf32, #tpu.memory_space<vmem>>, vector<64x1xf32>
    %exp3A = math.exp %get3A_3 : vector<64x6400xf32>
    %reduce_sum3A = arith.constant dense<0.000000e+00> : vector<64xf32>
    %reduce_sum3A_7 = vector.multi_reduction <add>, %exp3A, %reduce_sum3A [1] : vector<64x6400xf32> to vector<64xf32>
    %broadcast_in_dim3A = vector.shape_cast %reduce_sum3A_7 : vector<64xf32> to vector<64x1xf32>
    %add3A = arith.addf %get3A_6, %broadcast_in_dim3A : vector<64x1xf32>
    %swap3A = arith.constant 0 : index
    %swap3A_8 = arith.constant 0 : index
    %swap3A_9 = vector.load %arg4[%swap3A, %swap3A_8] : memref<64x1xf32, #tpu.memory_space<vmem>>, vector<64x1xf32>
    tpu.vector_store %arg4[%swap3A, %swap3A_8], %add3A {strides = array<i32>} : memref<64x1xf32, #tpu.memory_space<vmem>>, vector<64x1xf32>,
    %get3A_10 = arith.constant 0 : index
    %get3A_11 = arith.constant 0 : index
    %get3A_12 = vector.load %arg5[%get3A_10, %get3A_11] : memref<64x1xf32, #tpu.memory_space<vmem>>, vector<64x1xf32>
    %reduce_sum3A_13 = arith.constant dense<0.000000e+00> : vector<64xf32>
    %reduce_sum3A_14 = vector.multi_reduction <add>, %get3A_3, %reduce_sum3A_13 [1] : vector<64x6400xf32> to vector<64xf32>
    %broadcast_in_dim3A_15 = vector.shape_cast %reduce_sum3A_14 : vector<64xf32> to vector<64x1xf32>
    %add3A_16 = arith.addf %get3A_12, %broadcast_in_dim3A_15 : vector<64x1xf32>
    %swap3A_17 = arith.constant 0 : index
    %swap3A_18 = arith.constant 0 : index
    %swap3A_19 = vector.load %arg5[%swap3A_17, %swap3A_18] : memref<64x1xf32, #tpu.memory_space<vmem>>, vector<64x1xf32>
    tpu.vector_store %arg5[%swap3A_17, %swap3A_18], %add3A_16 {strides = array<i32>} : memref<64x1xf32, #tpu.memory_space<vmem>>, vector<64x1xf32>,
    %mul3A = arith.constant 6400 : i32
    %mul3A_20 = arith.muli %arg1, %mul3A : i32
    %iota3A = tpu.iota {dimensions = array<i32: 1>} : vector<64x6400xi32>
    %add3A_21 = vector.broadcast %mul3A_20 : i32 to vector<64x6400xi32>
    %add3A_22 = arith.addi %add3A_21, %iota3A : vector<64x6400xi32>
    %get3A_23 = arith.constant 0 : index
    %get3A_24 = arith.constant 0 : index
    %get3A_25 = vector.load %arg3[%get3A_23, %get3A_24] : memref<64x1xi32, #tpu.memory_space<vmem>>, vector<64x1xi32>
    %eq3A_26 = vector.broadcast %get3A_25 : vector<64x1xi32> to vector<64x6400xi32>
    %eq3A_27 = arith.cmpi eq, %add3A_22, %eq3A_26 : vector<64x6400xi32>
    %get3A_28 = arith.constant 0 : index
    %get3A_29 = arith.constant 0 : index
    %get3A_30 = vector.load %arg6[%get3A_28, %get3A_29] : memref<64x1xf32, #tpu.memory_space<vmem>>, vector<64x1xf32>
    %jit3A = arith.constant 0.000000e+00 : f32
    %broadcast_in_dim3A_31 = vector.broadcast %jit3A : f32 to vector<64x6400xf32>
    %select_n3A = arith.select %eq3A_27, %get3A_3, %broadcast_in_dim3A_31 : vector<64x6400xi1>, vector<64x6400xf32>
    %reduce_sum3A_32 = arith.constant dense<0.000000e+00> : vector<64xf32>
    %reduce_sum3A_33 = vector.multi_reduction <add>, %select_n3A, %reduce_sum3A_32 [1] : vector<64x6400xf32> to vector<64xf32>
    %broadcast_in_dim3A_34 = vector.shape_cast %reduce_sum3A_33 : vector<64xf32> to vector<64x1xf32>
    %add3A_35 = arith.addf %get3A_30, %broadcast_in_dim3A_34 : vector<64x1xf32>
    %swap3A_36 = arith.constant 0 : index
    %swap3A_37 = arith.constant 0 : index
    %swap3A_38 = vector.load %arg6[%swap3A_36, %swap3A_37] : memref<64x1xf32, #tpu.memory_space<vmem>>, vector<64x1xf32>
    tpu.vector_store %arg6[%swap3A_36, %swap3A_37], %add3A_35 {strides = array<i32>} : memref<64x1xf32, #tpu.memory_space<vmem>>, vector<64x1xf32>,
    return
  }
  func.func @transform_0(%arg0: i32, %arg1: i32) -> (i32, i32) {
    %add3A = arith.constant 19 : i32
    %add3A_0 = arith.addi %add3A, %arg0 : i32
    %c0_i32 = arith.constant 0 : i32
    return %add3A_0, %arg1 : i32, i32
  }
  func.func @transform_1(%arg0: i32, %arg1: i32) -> (i32, i32) {
    %add3A = arith.constant 19 : i32
    %add3A_0 = arith.addi %add3A, %arg0 : i32
    %c0_i32 = arith.constant 0 : i32
    %c0_i32_1 = arith.constant 0 : i32
    return %add3A_0, %c0_i32 : i32, i32
  }
  func.func @transform_2(%arg0: i32, %arg1: i32) -> (i32, i32) {
    %c0_i32 = arith.constant 0 : i32
    %c0_i32_0 = arith.constant 0 : i32
    return %arg0, %c0_i32 : i32, i32
  }
  func.func @transform_3(%arg0: i32, %arg1: i32) -> (i32, i32) {
    %c0_i32 = arith.constant 0 : i32
    %c0_i32_0 = arith.constant 0 : i32
    return %arg0, %c0_i32 : i32, i32
  }
  func.func @transform_4(%arg0: i32, %arg1: i32) -> (i32, i32) {
    %c0_i32 = arith.constant 0 : i32
    %c0_i32_0 = arith.constant 0 : i32
    return %arg0, %c0_i32 : i32, i32
  }
  func.func @transform_5(%arg0: i32, %arg1: i32) -> (i32, i32) {
    %c0_i32 = arith.constant 0 : i32
    %c0_i32_0 = arith.constant 0 : i32
    return %arg0, %c0_i32 : i32, i32
  }
}

</mosaic_0001>

<sc_bundles>
// kernel: kernel.5.cloned.1.call-start
scs
__scs_entry_jumppad:
0x0: {  	(pc) =	sbr.rel $0x88, $3  }
0x1: {  	(tag) =	ssettag $0x0;
	lr =	simm.s32 $0x1  }
0x2: {  	[smem:$0x3F9F] =	sst lr;
	_ =	strace $0xD0000000  }
0x3: {  	_ = 	snop  }
0x4: {  	_ = 	snop  }
0x5: {  	_ = 	snop  }
0x6: {  	_ = 	snop  }
0x7: {  	_ = 	snop  }
__scs_overlays_trampoline_lowered:
0x8: {  	[smem:$0x3FAE] =	sst s0  }
0x9: {  	[smem:$0x3FAF] =	sst s1  }
0xa: {  	[smem:$0x3FB0] =	sst s2  }
0xb: {  	[smem:$0x3FB1] =	sst s3  }
0xc: {  	[smem:$0x3FB2] =	sst s4  }
0xd: {  	[smem:$0x3FB3] =	sst s5  }
0xe: {  	[smem:$0x3FB4] =	sst s6  }
0xf: {  	[smem:$0x3FB5] =	sst s7  }
0x10: {  	[smem:$0x3FB6] =	sst s8  }
0x11: {  	[smem:$0x3FB7] =	sst s9;
	s0 =	simm.s32 @!p0 $0x0  }
0x12: {  	s1 =	sld [smem:$0x3F9D];
	s0 =	simm.s32 @p0 $0x1  }
0x13: {  	[smem:$0x3FB8] =	sst s0;
	s0 =	simm.s32 @!p1 $0x0  }
0x14: {  	s2 =	sld [smem:$0x3F9C];
	s0 =	simm.s32 @p1 $0x1  }
0x15: {  	[smem:$0x3FB9] =	sst s0;
	s0 =	simm.s32 @!p2 $0x0  }
0x16: {  	s3 =	sld [smem:$0x3FDB];
	s0 =	simm.s32 @p2 $0x1  }
0x17: {  	s4 =	simm.s32 $0x1BF5;
	[smem:$0x3FBB] =	sst s0  }
0x18: {  	s0 =	sld [smem:$0x3F9E];
	_ =	swait.ge [sflag:s4], $0x0  }
0x19: {  	s7 =	sld [smem:$0x3F9F]  }
0x1a: {  	s8 =	sadd.s32 $0xFFFFE003, lr  }
0x1b: {  	s9 =	sadd.s32 $0xFFFFFEF7, lr;
	s5 =	simm.s32 $0xFFFFFFFF;
	p2 =	slt.u32 s8, $0xFFFFF086  }
0x1c: {  	p1 =	slt.u32 s9, $0xF7A;
	s5 =	simm.s32 @!p2 $0x0  }
0x1d: {  	s5 =	simm.s32 @p1 $0x1;
	p0 =	seq.s32 s7, s2  }
0x1e: {  	s7 =	smul.u32 @!p0 $0xF7A, s2;
	p2 =	seq.s32 @!p0 s5, $0x0  }
0x1f: {  	s9 =	smul.u32 $0xF7A, s1;
	s8 =	simm.s32 @!p0 $0x1BF5;
	p2 =	por !p2, p0  }
0x20: {  	[sflag:s8] =	ssyncset.s32 @!p0 $0xFFFFF086;
	s6 =	sadd.s32 @!p0 s3, s7;
	s7 =	simm.s32 @!p0 $0x108  }
0x21: {  	s3 =	sadd.s32 s3, s9;
	s6 =	sadd.s32 @!p0 $0x88, s6;
	s7 =	simm.s32 @p2 $0x1082  }
0x22: {  	[simem:s7], [sflag:s8] =	dma.local @!p0 [hbm:s6], $0xF7A  }
0x23: {  	s9 =	sor.u32 $0xD0000000, s2;
	s6 =	simm.s32 $0x108;
	_ =	swait.ge @!p0 [sflag:s8], $0x0  }
0x24: {  	s3 =	sadd.s32 $0x88, s3;
	s6 =	simm.s32 @!p1 $0x1082;
	[sflag:s4] =	ssyncset.s32 $0xFFFFF086  }
0x25: {  	[simem:s6], [sflag:s4] =	dma.local [hbm:s3], $0xF7A  }
0x26: {  	[smem:$0x3F9F] =	sst s1;
	(tag) =	ssettag s2;
	_ =	strace s9  }
0x27: {  	s1 =	sld [smem:$0x3FAF]  }
0x28: {  	s2 =	sld [smem:$0x3FB0]  }
0x29: {  	s4 =	sld [smem:$0x3FB2]  }
0x2a: {  	p0 =	seq.s32 s5, $0x0;
	s5 =	sld [smem:$0x3FB3]  }
0x2b: {  	s6 =	sld [smem:$0x3FB4]  }
0x2c: {  	s7 =	sld [smem:$0x3FB5]  }
0x2d: {  	s3 =	simm.s32 $0x108;
	s8 =	sld [smem:$0x3FB6]  }
0x2e: {  	s3 =	simm.s32 @!p0 $0x1082;
	s9 =	sld [smem:$0x3FB7]  }
0x2f: {  	lr =	sadd.s32 s0, s3;
	s0 =	sld [smem:$0x3FAE]  }
0x30: {  	s3 =	sld [smem:$0x3FB1]  }
0x31: {  	[smem:$0x3FBA] =	sst s10  }
0x32: {  	s10 =	sld [smem:$0x3FB8];
	_ =	sdelay $0x3  }
0x33: {  	p0 =	seq.s32 s10, $0x1;
	s10 =	sld [smem:$0x3FBA];
	_ =	sdelay $0x3  }
0x34: {  	[smem:$0x3FBA] =	sst s10  }
0x35: {  	s10 =	sld [smem:$0x3FB9];
	_ =	sdelay $0x3  }
0x36: {  	p1 =	seq.s32 s10, $0x1;
	s10 =	sld [smem:$0x3FBA];
	_ =	sdelay $0x3  }
0x37: {  	[smem:$0x3FBA] =	sst s10  }
0x38: {  	s10 =	sld [smem:$0x3FBB]  }
0x39: {  	_ = 	snop;
	(pc) =	sbr.ind lr, $3  }
0x3a: {  	_ = 	snop  }
0x3b: {  	_ = 	snop  }
0x3c: {  	p2 =	seq.s32 s10, $0x1;
	s10 =	sld [smem:$0x3FBA]  }
0x3d: {  	_ =	shalt  }
0x3e: {  	_ =	shalt  }
0x3f: {  	_ =	shalt  }
0x40: {  	_ =	shalt  }
0x41: {  	_ =	shalt  }
0x42: {  	_ =	shalt  }
0x43: {  	_ =	shalt  }
0x44: {  	_ =	shalt  }
0x45: {  	_ =	shalt  }
0x46: {  	_ =	shalt  }
0x47: {  	_ =	shalt  }
0x48: {  	_ =	shalt  }
0x49: {  	_ =	shalt  }
0x4a: {  	_ =	shalt  }
0x4b: {  	_ =	shalt  }
0x4c: {  	_ =	shalt  }
0x4d: {  	_ =	shalt  }
0x4e: {  	_ =	shalt  }
0x4f: {  	_ =	shalt  }
0x50: {  	_ =	shalt  }
0x51: {  	_ =	shalt  }
0x52: {  	_ =	shalt  }
0x53: {  	_ =	shalt  }
0x54: {  	_ =	shalt  }
0x55: {  	_ =	shalt  }
0x56: {  	_ =	shalt  }
0x57: {  	_ =	shalt  }
0x58: {  	_ =	shalt  }
0x59: {  	_ =	shalt  }
0x5a: {  	_ =	shalt  }
0x5b: {  	_ =	shalt  }
0x5c: {  	_ =	shalt  }
0x5d: {  	_ =	shalt  }
0x5e: {  	_ =	shalt  }
0x5f: {  	_ =	shalt  }
0x60: {  	_ =	shalt  }
0x61: {  	_ =	shalt  }
0x62: {  	_ =	shalt  }
0x63: {  	_ =	shalt  }
0x64: {  	_ =	shalt  }
0x65: {  	_ =	shalt  }
0x66: {  	_ =	shalt  }
0x67: {  	_ =	shalt  }
0x68: {  	_ =	shalt  }
0x69: {  	_ =	shalt  }
0x6a: {  	_ =	shalt  }
0x6b: {  	_ =	shalt  }
0x6c: {  	_ =	shalt  }
0x6d: {  	_ =	shalt  }
0x6e: {  	_ =	shalt  }
0x6f: {  	_ =	shalt  }
0x70: {  	_ =	shalt  }
0x71: {  	_ =	shalt  }
0x72: {  	_ =	shalt  }
0x73: {  	_ =	shalt  }
0x74: {  	_ =	shalt  }
0x75: {  	_ =	shalt  }
0x76: {  	_ =	shalt  }
0x77: {  	_ =	shalt  }
0x78: {  	_ =	shalt  }
0x79: {  	_ =	shalt  }
0x7a: {  	_ =	shalt  }
0x7b: {  	_ =	shalt  }
0x7c: {  	_ =	shalt  }
0x7d: {  	_ =	shalt  }
0x7e: {  	_ =	shalt  }
0x7f: {  	_ =	shalt  }
0x80: {  	_ =	shalt  }
0x81: {  	_ =	shalt  }
0x82: {  	_ =	shalt  }
0x83: {  	_ =	shalt  }
0x84: {  	_ =	shalt  }
0x85: {  	_ =	shalt  }
0x86: {  	_ =	shalt  }
0x87: {  	_ =	shalt  }
.Lfunc_end0:
.L_simem_size_0:
called_computation_lowered:
.L_overlay_start_0:
0x88: {  	s2 =	sld [smem:$0x3FD9]  }
0x89: {  	s3 =	sld [smem:$0x3FFE];
	_ =	sdelay $0x1  }
0x8a: {  	s1 =	srdreg.scid  }
0x8b: {  	s0 =	sand.u32 $0x1, s1  }
0x8c: {  	s17 =	sshll.u32 s0, $0xA;
	s2 =	sadd.s32 s3, s2  }
0x8d: {  	s2 =	sadd.s32 s2, s17  }
0x8e: {  	[smem:$0x3FC6] =	sst s2  }
0x8f: {  	_ = 	snop  }
0x90: {  	s2 =	sld [smem:$0x3FC9]  }
0x91: {  	s18 =	sld [smem:$0x3FC8];
	(tm) =	ssettm $0x1  }
0x92: {  	s4 =	sld [smem:$0x3FFB];
	_ =	sdelay $0x3  }
0x93: {  	_ =	strace s4  }
0x94: {  	s4 =	sld [smem:$0x3FFC];
	_ =	sdelay $0x3  }
0x95: {  	_ =	strace s4  }
0x96: {  	s4 =	sld [smem:$0x3FFD];
	_ =	sdelay $0x3  }
0x97: {  	_ =	strace s4  }
0x98: {  	_ =	strace $0x8FFFFFFF  }
0x99: {  	s19 =	sld [smem:$0x3FDB];
	_ =	sdelay $0x1  }
0x9a: {  	s5 =	simm.s32 $_scs_section_size  }
0x9b: {  	s6 =	simm.s32 $_size__tile_overlayer_lowered;
	s7 =	simm.s32 $_tile_overlayer_lowered  }
0x9c: {  	s22 =	simm.s32 $0x1BFF;
	s21 =	sshll.u32 s7, $0x1;
	s4 =	sadd.s32 s5, s19  }
0x9d: {  	s8 =	simm.s32 $0x0;
	s20 =	sshll.u32 s6, $0x1;
	s6 =	sadd.s32 s21, s4  }
0x9e: {  	[timem:s8], [sflag:s22] =	dma.local [hbm:s6], s20  }
0x9f: {  	_ =	swait.ge [sflag:s22], s20  }
0xa0: {  	s5 =	ssub.s32 $0x0, s20;
	[sflag:s22] =	ssyncset.done $0x0  }
0xa1: {  	[sflag:s22] =	ssyncadd.s32 s5;
	_ =	sdelay $0x1  }
0xa2: {  	s23 =	simm.s32 $0x1B8B  }
0xa3: {  	_ =	swait.ge [sflag:s23], $0x1  }
0xa4: {  	[sflag:s23] =	ssyncset.done $0x0  }
0xa5: {  	s25 =	simm.s32 $0x1B8E;
	s24 =	sld [smem:$0x3FFE];
	[sflag:s23] =	ssyncadd.s32 $0xFFFFFFFF  }
0xa6: {  	s26 =	simm.s32 $execute0_lowered;
	[smem:$0x3FD2] =	sst s25  }
0xa7: {  	s6 =	sshll.u32 s26, $0x1;
	_ =	strace $0x80000046;
	[dreg:$0x1] =	wrdreg $0xFFFFFFFF  }
0xa8: {  	s28 =	simm.s32 $_size_execute0_lowered;
	s4 =	sadd.s32 s4, s6;
	[dreg:$0x0] =	wrdreg $0x0  }
0xa9: {  	s6 =	sshll.u32 s28, $0x1;
	[dreg:$0x2] =	wrdreg s4  }
0xaa: {  	[dreg:$0x3] =	wrdreg s6  }
0xab: {  	[dreg:$0x4] =	wrdreg $0xC0  }
0xac: {  	_ =	task [dreg:s8], $0x5FFFF  }
0xad: {  	[dreg:$0x1] =	wrdreg $0xFFFFFFFF  }
0xae: {  	[dreg:$0x0] =	wrdreg $0x60  }
0xaf: {  	[dreg:$0x2] =	wrdreg s2  }
0xb0: {  	[dreg:$0x3] =	wrdreg s18  }
0xb1: {  	[dreg:$0x4] =	wrdreg s24  }
0xb2: {  	[dreg:$0x5] =	wrdreg $0x9  }
0xb3: {  	_ =	task.clear_ibuf [dreg:s8], $0x6FFFF;
	_ =	strace $0x90000046  }
0xb4: {  	s29 =	simm.s32 $0x9;
	_ =	strace $0x80000048  }
0xb5: {  	_ =	swait.ge [sflag:s29], $0x1  }
0xb6: {  	[sflag:s29] =	ssyncadd.s32 $0xFFFFFFFF  }
0xb7: {  	_ =	strace $0x90000048  }
0xb8: {  	_ =	sfence  }
0xb9: {  	s30 =	sld [smem:$0x0];
	_ =	sdelay $0x2  }
0xba: {  	s31 =	sshll.u32 s1, $0xD;
	s1 =	sshrl.u32 s1, $0x2  }
0xbb: {  	s3 =	sand.u32 $0x4000, s31;
	s1 =	sadd.s32 s1, s30  }
0xbc: {  	s0 =	sor.u32 s3, s0;
	s1 =	sshll.u32 s1, $0x11  }
0xbd: {  	s0 =	sor.u32 s1, s0  }
0xbe: {  	s0 =	sadd.s32 $0x8F2B, s0  }
0xbf: {  	[sflag:s0] =	ssyncadd.remote.s32 $0x1  }
0xc0: {  	_ =	sfence.sel $0xFFFF  }
0xc1: {  	[dreg:$0x0] =	wrdreg $0xFFFFFFFF;
	(pc) =	sbr.abs _section_cstart, $3  }
0xc2: {  	[dreg:$0x1] =	wrdreg $0xFFFFFFFF  }
0xc3: {  	_ =	task.clear_ibuf [dreg:s8], $0x2FFFF;
	_ =	strace $0x9FFFFFFF  }
0xc4: {  	(tm) =	ssettm $0x7FFFFFFF  }
0xc5: {  	_ =	shalt  }
tec
execute0_lowered:
.L_overlay_start_1:
0x0: {  	(tag) =	ssettag $0x1  }
0x1: {  	s2 =	rddreg [dreg:$0x0]  }
0x2: {  	s1 =	srdreg.scid;
	s6 =	rddreg [dreg:$0x1]  }
0x3: {  	s0 =	stileid.u32;
	s7 =	rddreg [dreg:$0x2]  }
0x4: {  	s3 =	simm.s32 $0x0;
	s15 =	simm.s32 $0x3;
	s16 =	simm.s32 $0x80  }
0x5: {  	s17 =	simm.s32 $0x400;
	s18 =	simm.s32 $0x7D00;
	s19 =	simm.s32 $0x1  }
0x6: {  	s20 =	simm.s32 $0x2;
	s4 =	sand.u32 $0x1, s1;
	s30 =	sshll.u32 s0, $0x1  }
0x7: {  	s21 =	simm.s32 $0xFB00;
	s22 =	simm.s32 $0x10F00;
	s5 =	sor.u32 s4, s30  }
0x8: {  	s23 =	simm.s32 $0x12300;
	s24 =	simm.s32 $0x13700;
	s8 =	smul.u32 $0x26, s5  }
0x9: {  	s25 =	simm.s32 $0x0;
	[smem:$0x7FF] =	sst s3;
	s10 =	smul.u32 $0x300, s5  }
0xa: {  	s4 =	ssub.s32 $0x2, s4;
	s5 =	smul.u32 $0x280, s5;
	s9 =	sshrl.u32 s8, $0x3  }
0xb: {  	_ =	strace $0x80000047;
	s31 =	sshrl.u32 s4, $0x1;
	s11 =	smul.u32 $0x3E800, s9  }
0xc: {  	s13 =	ssub.s32 s4, s31;
	s10 =	sand.u32 $0x300, s10;
	s12 =	sadd.s32 s5, s7  }
0xd: {  	s5 =	sand.u32 $0x6, s8;
	s8 =	sadd.s32 $0x2, s8;
	s10 =	sor.u32 s10, s11  }
0xe: {  	s13 =	smax.u32 s13, $0x1;
	s6 =	sadd.s32 s6, s9;
	s10 =	sshrl.u32 s10, $0x3  }
0xf: {  	s9 =	sadd.s32 $0x1400, s12;
	s11 =	sadd.s32 $0xB400, s12;
	s4 =	sadd.s32 s2, s10  }
0x10: {  	v0 =	vlaneseq.u32;
	v1 =	vimm.f32 $1.000000000e+00;
	v2 =	vimm.f32 $0.0e+00;
	s10 =	sadd.s32 $0x6400, s12;
	s12 =	sadd.s32 $0x10400, s12;
	s7 =	sadd.s32 $0x10, s4  }
.LBB2_1:
0x11: {  	s0 =	simm.s32 $0xFA00  }
0x12: {  	[tilespmem:s0], [sflag:$0x3] =	stream.linear.gather [hbm4b:s6+s3], $0x30, $0x38;
	[tilespmem:$0x14B00] =	vst v63  }
0x13: {  	_ =	swait.ge [sflag:s15], $0x30  }
0x14: {  	[sflag:s15] =	ssyncset.done $0x0  }
0x15: {  	[sflag:s15] =	ssyncadd.s32 $0xFFFFFFD0  }
0x16: {  	[tilespmem:s3], [sflag:$0x1] =	stream.strided.gather [hbm4b:s4+s16], $0x7D00, s17, s16, $0x38;
	[tilespmem:$0x14B00] =	vst v63  }
0x17: {  	s26 =	simm.s32 $0x0  }
0x18: {  	[tilespmem:s18], [sflag:$0x2] =	stream.strided.gather [hbm4b:s7+s16], $0x7D00, s17, s16, $0x38;
	[tilespmem:$0x14B00] =	vst v63  }
.LBB2_2:
0x19: {  	s28 =	sshll.u32 s26, $0x1;
	_ =	swait.ge [sflag:s19], $0x7D00  }
0x1a: {  	[sflag:s19] =	ssyncset.done $0x0;
	s29 =	sadd.s32 s5, s28  }
0x1b: {  	[sflag:s19] =	ssyncadd.s32 $0xFFFF8300;
	s30 =	sand.u32 $0x70, s29  }
0x1c: {  	v3 =	vld [tilespmem:s30+$0xFA00];
	_ =	sdelay $0x2  }
0x1d: {  	s29 =	sand.u32 $0xE, s29  }
0x1e: {  	v4 =	vmov s29  }
0x1f: {  	v10 =	vperm.xlane v3, v4;
	_ =	sdelay $0x1  }
0x20: {  	s29 =	simm.s32 $0x40;
	[tilespmem:$0xFA80] =	vst v10  }
0x21: {  	v3 =	vld [tilespmem:s29+$0x30]  }
0x22: {  	v4 =	vld [tilespmem:s29+$0xFFFFFFD0]  }
0x23: {  	v5 =	vld [tilespmem:s29+$0xFFFFFFE0];
	_ =	sdelay $0x1  }
0x24: {  	v6 =	vld [tilespmem:s29+$0xFFFFFFF0]  }
0x25: {  	v7 =	vld [tilespmem:s29+$0x0];
	v8 =	vmul.f32 $1.442695020e+00, v3  }
0x26: {  	v13 =	vld [tilespmem:s29+$0x10];
	v9 =	vmul.f32 $1.442695020e+00, v4  }
0x27: {  	v11 =	vld [tilespmem:s29+$0xFFFFFFC0];
	v12 =	vmul.f32 $1.442695020e+00, v5;
	(erf) = vpow2.f32 v8  }
0x28: {  	s30 =	simm.s32 $0xC0;
	v18 =	vld [tilespmem:s29+$0x20];
	(erf) = vpow2.f32 v9  }
0x29: {  	v19 =	vld [tilespmem:s30+$0x30];
	v8 =	vmul.f32 $1.442695020e+00, v6;
	(erf) = vpow2.f32 v12  }
0x2a: {  	v14 =	vimm.f32 $0.0e+00;
	v9 =	vmul.f32 $1.442695020e+00, v7  }
0x2b: {  	v3 =	vadd.f32 v3, v14;
	v12 =	vmul.f32 $1.442695020e+00, v13;
	(erf) = vpow2.f32 v8  }
0x2c: {  	v20 =	vld [tilespmem:s30+$0xFFFFFFD0];
	v21 =	vadd.f32 v4, v14;
	v4 =	vmul.f32 $1.442695020e+00, v11;
	(erf) = vpow2.f32 v9  }
0x2d: {  	v15 =	vld [tilespmem:s30+$0xFFFFFFE0];
	v17 =	vadd.f32 v11, v14;
	v8 =	vmul.f32 $1.442695020e+00, v18;
	(erf) = vpow2.f32 v12  }
0x2e: {  	v11 =	vld [tilespmem:s30+$0xFFFFFFF0];
	v12 =	vadd.f32 v6, v14;
	v6 =	vadd.f32 v13, v14;
	v13 =	vmul.f32 $1.442695020e+00, v19  }
0x2f: {  	v16 =	vadd.f32 v5, v14;
	v9 =	vld [tilespmem:s30+$0x0];
	(erf) = vpow2.f32 v8  }
0x30: {  	v3 =	vadd.f32 v19, v3;
	v8 =	vadd.f32 v7, v14;
	(erf) = vpow2.f32 v4;
	v5 =	vpop (erf)  }
0x31: {  	v19 =	vmul.f32 $1.442695020e+00, v20;
	v7 =	vld [tilespmem:s30+$0x10];
	v4 =	vadd.f32 v18, v14;
	v18 =	vadd.f32 v20, v21;
	v20 =	vpop (erf)  }
0x32: {  	(erf) = vpow2.f32 v13;
	v13 =	vpop (erf)  }
0x33: {  	v23 =	vmul.f32 $1.442695020e+00, v15;
	v24 =	vmul.f32 $1.442695020e+00, v11;
	v22 =	vadd.f32 v13, v14;
	v13 =	vld [tilespmem:s30+$0x20]  }
0x34: {  	v25 =	vld [tilespmem:s30+$0xFFFFFFC0];
	v26 =	vmul.f32 $1.442695020e+00, v9;
	(erf) = vpow2.f32 v19  }
0x35: {  	v5 =	vadd.f32 v5, v14;
	v21 =	vadd.f32 v20, v14;
	(erf) = vpow2.f32 v23;
	v19 =	vpop (erf)  }
0x36: {  	v28 =	vmul.f32 $1.442695020e+00, v7;
	v23 =	vimm.f32 $0.0e+00;
	v20 =	vadd.f32 v19, v14;
	v19 =	vpop (erf)  }
0x37: {  	s29 =	simm.s32 $0x80;
	(erf) = vpow2.f32 v24;
	s30 =	simm.s32 $0x140;
	v24 =	vimm.f32 $0.0e+00;
	v19 =	vadd.f32 v19, v14;
	v27 =	vpop (erf)  }
.LBB2_3:
0x38: {  	v29 =	vld [tilespmem:s30+$0x30];
	s29 =	sadd.s32 $0x80, s29;
	v30 =	vmul.f32 $1.442695020e+00, v13;
	(erf) = vpow2.f32 v26;
	v14 =	vadd.f32 v27, v14;
	v26 =	vpop (erf)  }
0x39: {  	v27 =	vld [tilespmem:s30+$0xFFFFFFD0];
	p0 =	slt.u32 s29, $0x7C80;
	v31 =	vmul.f32 $1.442695020e+00, v25;
	(erf) = vpow2.f32 v28;
	v23 =	vadd.f32 v26, v23;
	v26 =	vpop (erf)  }
0x3a: {  	v17 =	vadd.f32 v25, v17;
	v25 =	vmovc v15;
	(erf) = vpow2.f32 v30;
	v24 =	vadd.f32 v26, v24;
	v15 =	vld [tilespmem:s30+$0xFFFFFFE0]  }
0x3b: {  	v12 =	vadd.f32 v11, v12;
	v16 =	vadd.f32 v25, v16;
	v11 =	vld [tilespmem:s30+$0xFFFFFFF0];
	(erf) = vpow2.f32 v31  }
0x3c: {  	v8 =	vadd.f32 v9, v8;
	v6 =	vadd.f32 v7, v6;
	v9 =	vld [tilespmem:s30+$0x0]  }
0x3d: {  	v4 =	vadd.f32 v13, v4;
	v7 =	vld [tilespmem:s30+$0x10];
	v30 =	vmul.f32 $1.442695020e+00, v29;
	v3 =	vadd.f32 v29, v3;
	v25 =	vpop (erf)  }
.Ltmp0:
0x3e: {  	v31 =	vmul.f32 $1.442695020e+00, v27;
	v18 =	vadd.f32 v27, v18;
	v13 =	vld [tilespmem:s30+$0x20];
	v5 =	vadd.f32 v25, v5;
	v27 =	vpop (erf);
	(pc) =	sbr.rel @p0 .LBB2_3-.Ltmp0, $4  }
0x3f: {  	v25 =	vld [tilespmem:s30+$0xFFFFFFC0];
	v32 =	vmul.f32 $1.442695020e+00, v15;
	(erf) = vpow2.f32 v30;
	v21 =	vadd.f32 v27, v21;
	v26 =	vpop (erf)  }
0x40: {  	v30 =	vmul.f32 $1.442695020e+00, v11;
	(erf) = vpow2.f32 v31;
	v22 =	vadd.f32 v26, v22;
	v28 =	vpop (erf)  }
0x41: {  	v26 =	vmul.f32 $1.442695020e+00, v9;
	(erf) = vpow2.f32 v32;
	v20 =	vadd.f32 v28, v20;
	v29 =	vpop (erf)  }
0x42: {  	s30 =	sadd.s32 $0x80, s30;
	v28 =	vmul.f32 $1.442695020e+00, v7;
	(erf) = vpow2.f32 v30;
	v19 =	vadd.f32 v29, v19;
	v27 =	vpop (erf)  }
0x43: {  	v29 =	vmul.f32 $1.442695020e+00, v13  }
0x44: {  	(erf) = vpow2.f32 v26;
	v26 =	vmul.f32 $1.442695020e+00, v25  }
0x45: {  	(v2sf) =	vpush v10, $0x0;
	(erf) = vpow2.f32 v28  }
0x46: {  	(erf) = vpow2.f32 v29  }
0x47: {  	v10 =	vpop (erf);
	(erf) = vpow2.f32 v26  }
0x48: {  	v26 =	vpop (erf)  }
0x49: {  	v28 =	vpop (erf)  }
0x4a: {  	v29 =	vpop (erf)  }
0x4b: {  	v30 =	vpop (erf)  }
0x4c: {  	v31 =	vpop (erf)  }
0x4d: {  	v32 =	vpop (erf)  }
0x4e: {  	v17 =	vadd.f32 v25, v17;
	v33 =	vpop (erf)  }
0x4f: {  	v24 =	vadd.f32 v26, v24;
	v26 =	vpop (erf)  }
0x50: {  	v14 =	vadd.f32 v27, v14;
	v17 =	vadd.f32 $0.0e+00, v17;
	v34 =	vpop (erf)  }
0x51: {  	v15 =	vadd.f32 v15, v16;
	v24 =	vadd.f32 v34, v24  }
0x52: {  	v11 =	vadd.f32 v11, v12;
	v16 =	vadd.f32 v18, v17  }
0x53: {  	v21 =	vadd.f32 v29, v21;
	v24 =	vadd.f32 $0.0e+00, v24  }
0x54: {  	v8 =	vadd.f32 v9, v8;
	v12 =	vadd.f32 v15, v16;
	s29 =	spop (v2sf)  }
0x55: {  	p0 =	seq.s32 s26, $0x12;
	v22 =	vadd.f32 v30, v22;
	s31 =	sand.u32 $0xF, s29;
	v21 =	vadd.f32 v21, v24  }
0x56: {  	v6 =	vadd.f32 v7, v6;
	v9 =	vadd.f32 v11, v12;
	s30 =	sshra.s32 s29, $0x1F;
	p1 =	slt.s32 s29, $0x1;
	p2 =	sne.s32 s31, $0x0  }
0x57: {  	s0 =	simm.s32 $0x1;
	v17 =	vadd.f32 v31, v20;
	s30 =	sshrl.u32 s30, $0x1C;
	p1 =	por !p1, !p2;
	v18 =	vadd.f32 v22, v21  }
0x58: {  	v4 =	vadd.f32 v13, v4;
	v15 =	vadd.f32 v32, v19;
	s31 =	sadd.s32 @!p0 s28, s8;
	s30 =	sadd.s32 s30, s29;
	p1 =	por !p1, !p1  }
0x59: {  	v7 =	vadd.f32 v8, v9;
	s1 =	sshrl.u32 @!p0 s31, $0x3;
	s30 =	sshrl.u32 s30, $0x4;
	s0 =	simm.s32 @!p1 $0x0;
	v16 =	vadd.f32 v17, v18  }
0x5a: {  	v10 =	vadd.f32 v10, v23;
	v11 =	vadd.f32 v33, v14;
	s31 =	sshll.u32 @!p0 s31, $0x7;
	s1 =	smul.u32 @!p0 $0x3E800, s1;
	s0 =	ssub.s32 s30, s0  }
0x5b: {  	v6 =	vadd.f32 v6, v7;
	s31 =	sand.u32 @!p0 $0x300, s31;
	s0 =	sshll.u32 s0, $0x4;
	v12 =	vadd.f32 v15, v16  }
0x5c: {  	v8 =	vadd.f32 v26, v10;
	s1 =	sor.u32 @!p0 s31, s1;
	v7 =	vld [tilespmem:s0+$0x0]  }
0x5d: {  	s14 =	simm.s32 @!p0 $0x0;
	v4 =	vadd.f32 v4, v6;
	s30 =	simm.s32 @!p0 $0x80;
	s1 =	sshrl.u32 @!p0 s1, $0x3;
	v9 =	vadd.f32 v11, v12  }
0x5e: {  	v5 =	vadd.f32 v28, v5;
	s31 =	simm.s32 @!p0 $0x400;
	s1 =	sadd.s32 @!p0 s2, s1;
	s0 =	ssub.s32 s29, s0  }
0x5f: {  	v3 =	vadd.f32 v3, v4;
	v4 =	vmov s0;
	v8 =	vadd.f32 v8, v9;
	v9 =	vld [tilespmem:$0x0];
	[tilespmem:s14], [sflag:$0x1] =	stream.strided.gather @!p0 [hbm4b:s1+s30], $0x7D00, s31, s30, $0x38  }
0x60: {  	vm0 =	veq.s32 v4, v0;
	s1 =	sshll.u32 s26, $0x8  }
0x61: {  	v4 =	vnsel vm0, $0x0, v7;
	[tilespmem:s1+$0x10F00] =	vst v3;
	v5 =	vadd.f32 v5, v8  }
0x62: {  	[tilespmem:s1+$0x12300] =	vst v4  }
0x63: {  	[tilespmem:s1+$0xFB00] =	vst v5  }
0x64: {  	[tilespmem:s1+$0x13700] =	vst v9  }
0x65: {  	s28 =	sor.u32 $0x1, s28;
	_ =	swait.ge [sflag:s20], $0x7D00  }
0x66: {  	s14 =	sadd.s32 s5, s28;
	[sflag:s20] =	ssyncset.done $0x0  }
0x67: {  	s31 =	sand.u32 $0x70, s14;
	[sflag:s20] =	ssyncadd.s32 $0xFFFF8300  }
0x68: {  	v3 =	vld [tilespmem:s31+$0xFA00];
	_ =	sdelay $0x3  }
0x69: {  	v4 =	vmov s14  }
0x6a: {  	v10 =	vperm.xlane v3, v4;
	_ =	sdelay $0x1  }
0x6b: {  	s14 =	simm.s32 $0x7D40;
	[tilespmem:$0xFA80] =	vst v10  }
0x6c: {  	v3 =	vld [tilespmem:s14+$0x30]  }
0x6d: {  	v4 =	vld [tilespmem:s14+$0xFFFFFFD0]  }
0x6e: {  	v5 =	vld [tilespmem:s14+$0xFFFFFFE0];
	_ =	sdelay $0x1  }
0x6f: {  	v6 =	vld [tilespmem:s14+$0xFFFFFFF0]  }
0x70: {  	v7 =	vld [tilespmem:s14+$0x0];
	v8 =	vmul.f32 $1.442695020e+00, v3  }
0x71: {  	v13 =	vld [tilespmem:s14+$0x10];
	v9 =	vmul.f32 $1.442695020e+00, v4  }
0x72: {  	v11 =	vld [tilespmem:s14+$0xFFFFFFC0];
	v12 =	vmul.f32 $1.442695020e+00, v5;
	(erf) = vpow2.f32 v8  }
0x73: {  	s31 =	simm.s32 $0x7DC0;
	v18 =	vld [tilespmem:s14+$0x20];
	(erf) = vpow2.f32 v9  }
0x74: {  	v19 =	vld [tilespmem:s31+$0x30];
	v8 =	vmul.f32 $1.442695020e+00, v6;
	(erf) = vpow2.f32 v12  }
0x75: {  	v14 =	vimm.f32 $0.0e+00;
	v9 =	vmul.f32 $1.442695020e+00, v7  }
0x76: {  	v3 =	vadd.f32 v3, v14;
	v12 =	vmul.f32 $1.442695020e+00, v13;
	(erf) = vpow2.f32 v8  }
0x77: {  	v20 =	vld [tilespmem:s31+$0xFFFFFFD0];
	v21 =	vadd.f32 v4, v14;
	v4 =	vmul.f32 $1.442695020e+00, v11;
	(erf) = vpow2.f32 v9  }
0x78: {  	v15 =	vld [tilespmem:s31+$0xFFFFFFE0];
	v17 =	vadd.f32 v11, v14;
	v8 =	vmul.f32 $1.442695020e+00, v18;
	(erf) = vpow2.f32 v12  }
0x79: {  	v11 =	vld [tilespmem:s31+$0xFFFFFFF0];
	v12 =	vadd.f32 v6, v14;
	v6 =	vadd.f32 v13, v14;
	v13 =	vmul.f32 $1.442695020e+00, v19  }
0x7a: {  	v16 =	vadd.f32 v5, v14;
	v9 =	vld [tilespmem:s31+$0x0];
	(erf) = vpow2.f32 v8  }
0x7b: {  	v3 =	vadd.f32 v19, v3;
	v8 =	vadd.f32 v7, v14;
	(erf) = vpow2.f32 v4;
	v5 =	vpop (erf)  }
0x7c: {  	v19 =	vmul.f32 $1.442695020e+00, v20;
	v7 =	vld [tilespmem:s31+$0x10];
	v4 =	vadd.f32 v18, v14;
	v18 =	vadd.f32 v20, v21;
	v20 =	vpop (erf)  }
0x7d: {  	(erf) = vpow2.f32 v13;
	v13 =	vpop (erf)  }
0x7e: {  	v23 =	vmul.f32 $1.442695020e+00, v15;
	v24 =	vmul.f32 $1.442695020e+00, v11;
	v22 =	vadd.f32 v13, v14;
	v13 =	vld [tilespmem:s31+$0x20]  }
0x7f: {  	v25 =	vld [tilespmem:s31+$0xFFFFFFC0];
	v26 =	vmul.f32 $1.442695020e+00, v9;
	(erf) = vpow2.f32 v19  }
0x80: {  	v5 =	vadd.f32 v5, v14;
	v21 =	vadd.f32 v20, v14;
	(erf) = vpow2.f32 v23;
	v19 =	vpop (erf)  }
0x81: {  	v28 =	vmul.f32 $1.442695020e+00, v7;
	v23 =	vimm.f32 $0.0e+00;
	v20 =	vadd.f32 v19, v14;
	v19 =	vpop (erf)  }
0x82: {  	s29 =	simm.s32 $0x80;
	s30 =	simm.s32 $0x7E40;
	(erf) = vpow2.f32 v24;
	v24 =	vimm.f32 $0.0e+00;
	v19 =	vadd.f32 v19, v14;
	v27 =	vpop (erf)  }
.LBB2_5:
0x83: {  	v29 =	vld [tilespmem:s30+$0x30];
	s29 =	sadd.s32 $0x80, s29;
	v30 =	vmul.f32 $1.442695020e+00, v13;
	(erf) = vpow2.f32 v26;
	v14 =	vadd.f32 v27, v14;
	v26 =	vpop (erf)  }
0x84: {  	v27 =	vld [tilespmem:s30+$0xFFFFFFD0];
	p1 =	slt.u32 s29, $0x7C80;
	v31 =	vmul.f32 $1.442695020e+00, v25;
	(erf) = vpow2.f32 v28;
	v23 =	vadd.f32 v26, v23;
	v26 =	vpop (erf)  }
0x85: {  	v17 =	vadd.f32 v25, v17;
	v25 =	vmovc v15;
	(erf) = vpow2.f32 v30;
	v24 =	vadd.f32 v26, v24;
	v15 =	vld [tilespmem:s30+$0xFFFFFFE0]  }
0x86: {  	v12 =	vadd.f32 v11, v12;
	v16 =	vadd.f32 v25, v16;
	v11 =	vld [tilespmem:s30+$0xFFFFFFF0];
	(erf) = vpow2.f32 v31  }
0x87: {  	v8 =	vadd.f32 v9, v8;
	v6 =	vadd.f32 v7, v6;
	v9 =	vld [tilespmem:s30+$0x0]  }
0x88: {  	v4 =	vadd.f32 v13, v4;
	v7 =	vld [tilespmem:s30+$0x10];
	v30 =	vmul.f32 $1.442695020e+00, v29;
	v3 =	vadd.f32 v29, v3;
	v25 =	vpop (erf)  }
.Ltmp1:
0x89: {  	v31 =	vmul.f32 $1.442695020e+00, v27;
	v18 =	vadd.f32 v27, v18;
	v13 =	vld [tilespmem:s30+$0x20];
	v5 =	vadd.f32 v25, v5;
	v27 =	vpop (erf);
	(pc) =	sbr.rel @p1 .LBB2_5-.Ltmp1, $4  }
0x8a: {  	v25 =	vld [tilespmem:s30+$0xFFFFFFC0];
	v32 =	vmul.f32 $1.442695020e+00, v15;
	(erf) = vpow2.f32 v30;
	v21 =	vadd.f32 v27, v21;
	v26 =	vpop (erf)  }
0x8b: {  	v30 =	vmul.f32 $1.442695020e+00, v11;
	(erf) = vpow2.f32 v31;
	v22 =	vadd.f32 v26, v22;
	v28 =	vpop (erf)  }
0x8c: {  	v26 =	vmul.f32 $1.442695020e+00, v9;
	(erf) = vpow2.f32 v32;
	v20 =	vadd.f32 v28, v20;
	v29 =	vpop (erf)  }
0x8d: {  	s30 =	sadd.s32 $0x80, s30;
	v28 =	vmul.f32 $1.442695020e+00, v7;
	(erf) = vpow2.f32 v30;
	v19 =	vadd.f32 v29, v19;
	v27 =	vpop (erf)  }
0x8e: {  	v29 =	vmul.f32 $1.442695020e+00, v13;
	(erf) = vpow2.f32 v26;
	(v2sf) =	vpush v10, $0x0  }
0x8f: {  	v43 =	vmul.f32 $1.442695020e+00, v25;
	(erf) = vpow2.f32 v28  }
0x90: {  	(erf) = vpow2.f32 v29  }
0x91: {  	v44 =	vpop (erf);
	(erf) = vpow2.f32 v43  }
0x92: {  	v45 =	vpop (erf)  }
0x93: {  	v46 =	vpop (erf)  }
0x94: {  	v47 =	vpop (erf)  }
0x95: {  	v30 =	vpop (erf)  }
0x96: {  	v31 =	vpop (erf)  }
0x97: {  	v32 =	vpop (erf)  }
0x98: {  	v17 =	vadd.f32 v25, v17;
	v33 =	vpop (erf)  }
0x99: {  	v24 =	vadd.f32 v45, v24;
	v48 =	vpop (erf)  }
0x9a: {  	v14 =	vadd.f32 v27, v14;
	v17 =	vadd.f32 $0.0e+00, v17;
	v34 =	vpop (erf)  }
0x9b: {  	v15 =	vadd.f32 v15, v16;
	v24 =	vadd.f32 v34, v24  }
0x9c: {  	v11 =	vadd.f32 v11, v12;
	v49 =	vadd.f32 v18, v17  }
0x9d: {  	v21 =	vadd.f32 v47, v21;
	v24 =	vadd.f32 $0.0e+00, v24;
	s0 =	spop (v2sf)  }
0x9e: {  	v8 =	vadd.f32 v9, v8;
	v52 =	vadd.f32 v15, v49;
	s1 =	sand.u32 $0xF, s0  }
0x9f: {  	v22 =	vadd.f32 v30, v22;
	s14 =	sshra.s32 s0, $0x1F;
	p1 =	slt.s32 s0, $0x1;
	v21 =	vadd.f32 v21, v24;
	p2 =	sne.s32 s1, $0x0  }
0xa0: {  	v6 =	vadd.f32 v7, v6;
	v55 =	vadd.f32 v11, v52;
	s30 =	sshrl.u32 s14, $0x1C;
	s14 =	sadd.s32 @!p0 s28, s8;
	p1 =	por !p1, !p2  }
0xa1: {  	v50 =	vadd.f32 v31, v20;
	s1 =	sadd.s32 s30, s0;
	s29 =	sshrl.u32 @!p0 s14, $0x3;
	s30 =	simm.s32 $0x1;
	v51 =	vadd.f32 v22, v21  }
0xa2: {  	v4 =	vadd.f32 v13, v4;
	v58 =	vadd.f32 v8, v55;
	s14 =	sshll.u32 @!p0 s14, $0x7;
	p1 =	por !p1, !p1;
	s29 =	smul.u32 @!p0 $0x3E800, s29  }
0xa3: {  	v53 =	vadd.f32 v32, v19;
	s1 =	sshrl.u32 s1, $0x4;
	s14 =	sand.u32 @!p0 $0x380, s14;
	s30 =	simm.s32 @!p1 $0x0;
	v54 =	vadd.f32 v50, v51  }
0xa4: {  	s31 =	simm.s32 @!p0 $0x7D00;
	v10 =	vadd.f32 v44, v23;
	v6 =	vadd.f32 v6, v58;
	s1 =	ssub.s32 s1, s30;
	s14 =	sor.u32 @!p0 s14, s29  }
0xa5: {  	v62 =	vld [tilespmem:$0x7D00];
	s26 =	sadd.s32 $0x1, s26;
	v56 =	vadd.f32 v33, v14;
	s1 =	sshll.u32 s1, $0x4;
	s14 =	sshrl.u32 @!p0 s14, $0x3;
	v57 =	vadd.f32 v53, v54  }
0xa6: {  	v4 =	vadd.f32 v4, v6;
	s29 =	simm.s32 @!p0 $0x80;
	s30 =	simm.s32 @!p0 $0x400;
	v61 =	vld [tilespmem:s1+$0x7D00];
	s14 =	sadd.s32 @!p0 s2, s14  }
0xa7: {  	v59 =	vadd.f32 v48, v10;
	[tilespmem:s31], [sflag:$0x2] =	stream.strided.gather @!p0 [hbm4b:s14+s29], $0x7D00, s30, s29, $0x38;
	v60 =	vadd.f32 v56, v57;
	[tilespmem:$0x14B00] =	vst v63  }
0xa8: {  	v3 =	vadd.f32 v3, v4;
	s0 =	ssub.s32 s0, s1;
	p0 =	sne.s32 s26, $0x13  }
.Ltmp2:
0xa9: {  	v5 =	vadd.f32 v46, v5;
	v63 =	vmov s0;
	s31 =	sshll.u32 s28, $0x7;
	v8 =	vadd.f32 v59, v60;
	(pc) =	sbr.rel @p0 .LBB2_2-.Ltmp2, $4  }
0xaa: {  	vm0 =	veq.s32 v63, v0;
	[tilespmem:s31+$0x10F00] =	vst v3  }
0xab: {  	[tilespmem:s31+$0x13700] =	vst v62;
	v4 =	vnsel vm0, $0x0, v61;
	v5 =	vadd.f32 v5, v8  }
0xac: {  	[tilespmem:s31+$0x12300] =	vst v4  }
0xad: {  	[tilespmem:s31+$0xFB00] =	vst v5  }
0xae: {  	[tilespmem:$0x10E00] =	vst v1  }
0xaf: {  	[tilespmem:$0x12200] =	vst v2  }
0xb0: {  	[tilespmem:$0x13600] =	vst v2  }
0xb1: {  	[tilespmem:$0x14A00] =	vst v2  }
0xb2: {  	[tilespmem:$0x10E80] =	vst v1  }
0xb3: {  	[tilespmem:$0x12280] =	vst v2  }
0xb4: {  	[tilespmem:$0x13680] =	vst v2  }
0xb5: {  	[tilespmem:$0x14A80] =	vst v2  }
0xb6: {  	[hbm4b:s9+s3] =	stream.linear.scatter [tilespmem:s21], [sflag:$0x3], $0x1400, $0x38;
	[tilespmem:$0x14B00] =	vst v63  }
0xb7: {  	_ =	swait.ge [sflag:s15], $0x1400  }
0xb8: {  	[sflag:s15] =	ssyncset.done $0x0  }
0xb9: {  	[sflag:s15] =	ssyncadd.s32 $0xFFFFEC00  }
0xba: {  	[hbm4b:s10+s3] =	stream.linear.scatter [tilespmem:s22], [sflag:$0x3], $0x1400, $0x38;
	[tilespmem:$0x14B00] =	vst v63  }
0xbb: {  	_ =	swait.ge [sflag:s15], $0x1400  }
0xbc: {  	[sflag:s15] =	ssyncset.done $0x0  }
0xbd: {  	[sflag:s15] =	ssyncadd.s32 $0xFFFFEC00  }
0xbe: {  	[hbm4b:s11+s3] =	stream.linear.scatter [tilespmem:s23], [sflag:$0x3], $0x1400, $0x38;
	[tilespmem:$0x14B00] =	vst v63  }
0xbf: {  	s25 =	sadd.s32 $0x1, s25;
	_ =	swait.ge [sflag:s15], $0x1400  }
0xc0: {  	p0 =	sne.s32 s25, s13;
	[sflag:s15] =	ssyncset.done $0x0  }
.Ltmp3:
0xc1: {  	[sflag:s15] =	ssyncadd.s32 $0xFFFFEC00;
	(pc) =	sbr.rel @p0 .LBB2_1-.Ltmp3, $4  }
0xc2: {  	[hbm4b:s12+s3] =	stream.linear.scatter [tilespmem:s24], [sflag:$0x3], $0x1400, $0x38;
	[tilespmem:$0x14B00] =	vst v63  }
0xc3: {  	_ =	swait.ge [sflag:s15], $0x1400  }
0xc4: {  	[sflag:s15] =	ssyncset.done $0x0  }
0xc5: {  	[sflag:s15] =	ssyncadd.s32 $0xFFFFEC00  }
0xc6: {  	_ =	sfence.sel $0x180000  }
0xc7: {  	[bflag:$0x0] =	sbarrier.arrive $0xFFFF  }
0xc8: {  	_ =	strace $0x90000047  }
0xc9: {  	s0 =	stileid.u32;
	[bflag:$0x2] =	sbarrier.arrive $0xFFFF  }
0xca: {  	p0 =	sne.s32 s0, $0x0;
	s0 =	rddreg [dreg:$0x3]  }
0xcb: {  	s0 =	sadd.s32 @!p0 $0x100000, s0  }
0xcc: {  	[sflag:s0] =	ssyncadd.tile.s32 @!p0 $0x1;
	_ =	shalt  }
.Lfunc_end2:
_tile_overlayer_lowered:
.L_overlay_start_2:
0xcd: {  	(tag) =	ssettag $0x2  }
0xce: {  	s0 =	rddreg [dreg:$0x0];
	s2 =	stileid.u32  }
0xcf: {  	s1 =	rddreg [dreg:$0x1];
	p0 =	sne.s32 s2, $0x0  }
0xd0: {  	s3 =	rddreg [dreg:$0x2];
	[bflag:$0x3] =	sbarrier.arrive $0xFFFF;
	s2 =	simm.s32 @!p0 $0x1C03  }
0xd1: {  	[timem:s3], [sflag:s2] =	dma.local @!p0 [hbm:s0], s1  }
0xd2: {  	s0 =	simm.s32 @!p0 $0x3  }
0xd3: {  	_ =	swait.ge @!p0 [sflag:s0], s1  }
0xd4: {  	s1 =	ssub.s32 @!p0 $0x0, s1;
	[sflag:s0] =	ssyncset.done @!p0 $0x0  }
0xd5: {  	[sflag:s0] =	ssyncadd.s32 @!p0 s1  }
0xd6: {  	[bflag:$0x3] =	sbarrier.arrive $0xFFFF  }
0xd7: {  	_ =	shalt  }

</sc_bundles>
